<compile_context>
chip_gen: v7x
topology: tpu7x:2x2x1
jax: 0.10.2.dev20260603
libtpu: 0.0.44.dev20260713+nightly
codegen_flags: <defaults>
</compile_context>

<pallas_src>
import jax
import jax.numpy as jnp
from jax import lax
from jax.experimental import pallas as pl
from jax.experimental.pallas import tpu as pltpu
from jax.experimental.pallas import tpu_sc as plsc

N = 10000
NP = 10112
F = 16
NR = NP * F // 128
NC, NS = 2, 16
ROWS = NP // NS
B = 1000
Q = 10


def _mesh():
    return plsc.VectorSubcoreMesh(
        core_axis_name="c", subcore_axis_name="s",
        num_cores=NC, num_subcores=NS)


_SC_PARAMS = pltpu.CompilerParams(use_tc_tiling_on_sc=False)


def _sc_deg_body(dst_hbm, z_hbm, ones_hbm, out_hbm, idx_d, ones_v, acc):
    c = lax.axis_index("c")
    s = lax.axis_index("s")
    sl = pl.ds(s * ROWS, ROWS)
    pltpu.sync_copy(z_hbm.at[sl], acc.at[sl])
    pltpu.sync_copy(ones_hbm, ones_v)
    pltpu.sync_copy(dst_hbm.at[c, s], idx_d)
    plsc.subcore_barrier()

    def step(q, carry):
        pltpu.sync_copy(ones_v, acc.at[idx_d.at[q]], add=True)
        return carry

    lax.fori_loop(0, Q, step, 0)
    plsc.subcore_barrier()
    pltpu.sync_copy(acc.at[sl], out_hbm.at[c, sl])


def _sc_deg(dsts, zeros, ones):
    return pl.kernel(
        _sc_deg_body,
        out_type=jax.ShapeDtypeStruct((NC, NP, F), jnp.float32),
        mesh=_mesh(),
        scratch_types=[
            pltpu.VMEM((Q, B), jnp.int32),
            pltpu.VMEM((B, F), jnp.float32),
            pltpu.VMEM_SHARED((NP, F), jnp.float32),
        ],
        compiler_params=_SC_PARAMS,
    )(dsts, zeros, ones)


def _sc_edge_body(y_hbm, src_hbm, dst_hbm, z_hbm, out_hbm,
                  idx_s, idx_d, rows, ysp, acc, gsem, ssem):
    c = lax.axis_index("c")
    s = lax.axis_index("s")
    sl = pl.ds(s * ROWS, ROWS)
    pltpu.sync_copy(z_hbm.at[sl], acc.at[sl])
    pltpu.sync_copy(y_hbm.at[sl], ysp.at[sl])
    pltpu.sync_copy(src_hbm.at[c, s], idx_s)
    pltpu.sync_copy(dst_hbm.at[c, s], idx_d)
    plsc.subcore_barrier()

    def gather(q, buf):
        return pltpu.async_copy(ysp.at[idx_s.at[q]], rows.at[buf], gsem)

    def scat(q, buf):
        return pltpu.async_copy(rows.at[buf], acc.at[idx_d.at[q]], ssem,
                                add=True)

    gather(0, 0).wait()

    def step(q, carry):
        buf = lax.rem(q, 2)
        nbuf = 1 - buf
        g = gather(q + 1, nbuf)
        sc = scat(q, buf)
        sc.wait()
        g.wait()
        return carry

    lax.fori_loop(0, Q - 1, step, 0)
    scat(Q - 1, lax.rem(Q - 1, 2)).wait()
    plsc.subcore_barrier()
    pltpu.sync_copy(acc.at[sl], out_hbm.at[c, sl])


def _sc_edge(y, srcs, dsts, zeros):
    return pl.kernel(
        _sc_edge_body,
        out_type=jax.ShapeDtypeStruct((NC, NP, F), jnp.float32),
        mesh=_mesh(),
        scratch_types=[
            pltpu.VMEM((Q, B), jnp.int32),
            pltpu.VMEM((Q, B), jnp.int32),
            pltpu.VMEM((2, B, F), jnp.float32),
            pltpu.VMEM_SHARED((NP, F), jnp.float32),
            pltpu.VMEM_SHARED((NP, F), jnp.float32),
            pltpu.SemaphoreType.DMA,
            pltpu.SemaphoreType.DMA,
        ],
        compiler_params=_SC_PARAMS,
    )(y, srcs, dsts, zeros)


def _tc_mm(x, w):
    def body(x_ref, w_ref, o_ref):
        o_ref[...] = jnp.dot(x_ref[...], w_ref[...],
                             preferred_element_type=jnp.float32)

    return pl.pallas_call(
        body,
        out_shape=jax.ShapeDtypeStruct((x.shape[0], w.shape[1]), jnp.float32),
    )(x, w)


def _tc_prep(degp, xw):
    def body(p_ref, xw_ref, y_ref, di_ref):
        dinv = lax.rsqrt(p_ref[0] + p_ref[1] + 1.0)
        y_ref[...] = xw_ref[...] * dinv
        di_ref[...] = dinv

    s = jax.ShapeDtypeStruct((NR, 128), jnp.float32)
    return pl.pallas_call(body, out_shape=(s, s))(degp, xw)


def _tc_mid(part, dinv, xw, b1):
    def body(q_ref, di_ref, xw_ref, b_ref, g_ref):
        di = di_ref[...]
        h = di * (q_ref[0] + q_ref[1]) + xw_ref[...] * di * di + b_ref[...]
        g_ref[...] = jnp.maximum(h, 0.0) * di

    s = jax.ShapeDtypeStruct((NR, 128), jnp.float32)
    return pl.pallas_call(body, out_shape=s)(part, dinv, xw, b1)


def _tc_fin(part, dinv, g, w2big, b2):
    def body(r_ref, di_ref, g_ref, w_ref, b_ref, o_ref):
        di = di_ref[...]
        z = di * (r_ref[0] + r_ref[1]) + g_ref[...] * di
        o_ref[...] = jnp.dot(z, w_ref[...], precision=lax.Precision.HIGHEST,
                             preferred_element_type=jnp.float32) + b_ref[...]

    s = jax.ShapeDtypeStruct((NR, 128), jnp.float32)
    return pl.pallas_call(body, out_shape=s)(part, dinv, g, w2big, b2)


def kernel(x, edge_index, W1, b1, W2, b2):
    dst = edge_index[1].astype(jnp.int32)
    src = lax.optimization_barrier(edge_index)[0].astype(jnp.int32)
    srcs = src.reshape(NC, NS, Q, B)
    dsts = dst.reshape(NC, NS, Q, B)
    xp = jnp.pad(x, ((0, NP - N), (0, 0)))
    zeros = jnp.zeros((NP, F), jnp.float32)
    ones = jnp.ones((B, F), jnp.float32)
    b1r = jnp.tile(b1, 8).reshape(1, 128)
    b2r = jnp.tile(b2, 8).reshape(1, 128)
    w2big = jnp.kron(jnp.eye(8, dtype=jnp.float32), W2)

    degp = _sc_deg(dsts, zeros, ones)
    xw128 = _tc_mm(xp, W1).reshape(NR, 128)
    y1, dinv = _tc_prep(degp.reshape(NC, NR, 128), xw128)
    p1 = _sc_edge(y1.reshape(NP, F), srcs, dsts, zeros)
    g = _tc_mid(p1.reshape(NC, NR, 128), dinv, xw128, b1r)
    p2 = _sc_edge(g.reshape(NP, F), srcs, dsts, zeros)
    out = _tc_fin(p2.reshape(NC, NR, 128), dinv, g, w2big, b2r)
    return out[:N * F // 128].reshape(N, F)

# --- scband reference (transcript-rebuilt; emitter-appended) ---
"""Pipeline reference for scband-gcn-3444563771481 (READ-ONLY COPY).

The authoritative reference and input builder live on the scoring server;
editing this copy changes nothing except your own understanding.
"""

import jax, jax.numpy as jnp
import numpy as np

N = 10000      # num nodes
E = 320000     # num edges (before self-loops)
D = 128        # num_features
H = 16         # hidden channels (conv1 out)
C = 16         # num_classes (conv2 out)


def setup_inputs(seed: int = 0) -> dict:
    key = jax.random.key(seed)
    k1, k2, k3, k4 = jax.random.split(key, 4)
    x = jax.random.normal(k1, (N, D), dtype=jnp.float32)
    edge_index = jax.random.randint(k2, (2, E), 0, N, dtype=jnp.int32).astype(jnp.int64)
    # GCNConv learned parameters (glorot-ish init)
    W1 = jax.random.normal(k3, (D, H), dtype=jnp.float32) * (1.0 / np.sqrt(D))
    b1 = jnp.zeros((H,), dtype=jnp.float32)
    W2 = jax.random.normal(k4, (H, C), dtype=jnp.float32) * (1.0 / np.sqrt(H))
    b2 = jnp.zeros((C,), dtype=jnp.float32)
    return {"x": x, "edge_index": edge_index, "W1": W1, "b1": b1, "W2": W2, "b2": b2}


def _gcn_conv(x, edge_index, W, b, num_nodes):
    # Faithful GCNConv: add self-loops, symmetric D^{-1/2} (A+I) D^{-1/2} normalization,
    # messages flow src -> dst, aggregated by scatter-add (segment_sum) at dst.
    src = edge_index[0]
    dst = edge_index[1]
    loop = jnp.arange(num_nodes, dtype=edge_index.dtype)
    src = jnp.concatenate([src, loop])
    dst = jnp.concatenate([dst, loop])
    xw = x @ W
    deg = jax.ops.segment_sum(jnp.ones(dst.shape[0], dtype=xw.dtype), dst, num_segments=num_nodes)
    dinv = jnp.where(deg > 0, jax.lax.rsqrt(deg), 0.0)
    norm = dinv[src] * dinv[dst]
    msg = xw[src] * norm[:, None]          # gather
    out = jax.ops.segment_sum(msg, dst, num_segments=num_nodes)  # scatter-add
    return out + b


def reference(x, edge_index, W1, b1, W2, b2):
    h = _gcn_conv(x, edge_index, W1, b1, N)
    h = jax.nn.relu(h)
    # F.dropout(training=self.training): identity in eval mode
    out = _gcn_conv(h, edge_index, W2, b2, N)
    return out

if __name__ == "__main__":
    import jax
    _d = setup_inputs()
    print(jax.jit(kernel)(*tuple(_d.values())))

</pallas_src>

<mosaic_0001>
#map = affine_map<(d0, d1) -> (0, 0, 0, 0)>
#map1 = affine_map<(d0, d1) -> (0, 0)>
#map2 = affine_map<(d0, d1) -> (0, 0, 0)>
module attributes {stable_mosaic.version = 14 : i64} {
  func.func @_sc_deg_body(%arg0: i32, %arg1: i32, %arg2: memref<2x16x10x1000xi32, #tpu.memory_space<hbm>>, %arg3: memref<10112x16xf32, #tpu.memory_space<hbm>>, %arg4: memref<1000x16xf32, #tpu.memory_space<hbm>>, %arg5: memref<2x10112x16xf32, #tpu.memory_space<hbm>>, %arg6: memref<10x1000xi32, #tpu.memory_space<vmem>>, %arg7: memref<1000x16xf32, #tpu.memory_space<vmem>>, %arg8: memref<10112x16xf32, #tpu.memory_space<vmem_shared>>) attributes {dimension_semantics = [#tpu.dimension_semantics<core_parallel>, #tpu.dimension_semantics<subcore_parallel>], iteration_bounds = array<i64: 2, 16>, scalar_prefetch = 0 : i64, scratch_operands = 3 : i64, tpu.core_type = #tpu.core_type<sc_vector_subcore>, window_params = [{transform_indices = #map}, {transform_indices = #map1}, {transform_indices = #map1}, {transform_indices = #map2}]} {
    %mul3A = arith.constant 632 : i32
    %mul3A_0 = arith.muli %arg1, %mul3A : i32
    "tpu.region"() ({
      %run_scoped3A = tpu.sem_alloc : memref<!tpu.dma_semaphore, #tpu.memory_space<semaphore_mem>>
      %dma_start3A = arith.constant 0 : i32
      %dma_start3A_7 = tpu.memref_slice %arg8[%mul3A_0, %dma_start3A] : memref<10112x16xf32, #tpu.memory_space<vmem_shared>> -> memref<632x16xf32, #tpu.memory_space<vmem_shared>>
      %dma_start3A_8 = arith.constant 0 : i32
      %dma_start3A_9 = tpu.memref_slice %arg3[%mul3A_0, %dma_start3A_8] : memref<10112x16xf32, #tpu.memory_space<hbm>> -> memref<632x16xf32, #tpu.memory_space<hbm>>
      tpu.enqueue_dma source(%dma_start3A_9 : memref<632x16xf32, #tpu.memory_space<hbm>>) target(%dma_start3A_7 : memref<632x16xf32, #tpu.memory_space<vmem_shared>>) target_semaphore(%run_scoped3A : memref<!tpu.dma_semaphore, #tpu.memory_space<semaphore_mem>>)
      %dma_wait3A = arith.constant 0 : i32
      %dma_wait3A_10 = tpu.memref_slice %arg8[%mul3A_0, %dma_wait3A] : memref<10112x16xf32, #tpu.memory_space<vmem_shared>> -> memref<632x16xf32, #tpu.memory_space<vmem_shared>>
      %dma_wait3A_11 = arith.constant 0 : i32
      %dma_wait3A_12 = tpu.memref_slice %arg3[%mul3A_0, %dma_wait3A_11] : memref<10112x16xf32, #tpu.memory_space<hbm>> -> memref<632x16xf32, #tpu.memory_space<hbm>>
      tpu.wait_dma2 semaphore(%run_scoped3A : memref<!tpu.dma_semaphore, #tpu.memory_space<semaphore_mem>>) src(%dma_wait3A_12 : memref<632x16xf32, #tpu.memory_space<hbm>>) dst(%dma_wait3A_10 : memref<632x16xf32, #tpu.memory_space<vmem_shared>>)
      tpu.yield
    }) : () -> ()
    "tpu.region"() ({
      %run_scoped3A = tpu.sem_alloc : memref<!tpu.dma_semaphore, #tpu.memory_space<semaphore_mem>>
      tpu.enqueue_dma source(%arg4 : memref<1000x16xf32, #tpu.memory_space<hbm>>) target(%arg7 : memref<1000x16xf32, #tpu.memory_space<vmem>>) target_semaphore(%run_scoped3A : memref<!tpu.dma_semaphore, #tpu.memory_space<semaphore_mem>>)
      tpu.wait_dma2 semaphore(%run_scoped3A : memref<!tpu.dma_semaphore, #tpu.memory_space<semaphore_mem>>) src(%arg4 : memref<1000x16xf32, #tpu.memory_space<hbm>>) dst(%arg7 : memref<1000x16xf32, #tpu.memory_space<vmem>>)
      tpu.yield
    }) : () -> ()
    "tpu.region"() ({
      %run_scoped3A = tpu.sem_alloc : memref<!tpu.dma_semaphore, #tpu.memory_space<semaphore_mem>>
      %dma_start3A = arith.constant 0 : i32
      %dma_start3A_7 = arith.constant 0 : i32
      %dma_start3A_8 = tpu.memref_slice %arg2[%arg0, %arg1, %dma_start3A, %dma_start3A_7] : memref<2x16x10x1000xi32, #tpu.memory_space<hbm>> -> memref<1x1x10x1000xi32, #tpu.memory_space<hbm>>
      %dma_start3A_9 = tpu.memref_squeeze %dma_start3A_8 : memref<1x1x10x1000xi32, #tpu.memory_space<hbm>> -> memref<10x1000xi32, #tpu.memory_space<hbm>>
      %dma_start3A_10 = arith.constant 0 : i32
      %dma_start3A_11 = arith.constant 0 : i32
      %dma_start3A_12 = tpu.memref_slice %arg2[%arg0, %arg1, %dma_start3A_10, %dma_start3A_11] : memref<2x16x10x1000xi32, #tpu.memory_space<hbm>> -> memref<1x1x10x1000xi32, #tpu.memory_space<hbm>>
      %dma_start3A_13 = tpu.memref_squeeze %dma_start3A_12 : memref<1x1x10x1000xi32, #tpu.memory_space<hbm>> -> memref<10x1000xi32, #tpu.memory_space<hbm>>
      tpu.enqueue_dma source(%dma_start3A_13 : memref<10x1000xi32, #tpu.memory_space<hbm>>) target(%arg6 : memref<10x1000xi32, #tpu.memory_space<vmem>>) target_semaphore(%run_scoped3A : memref<!tpu.dma_semaphore, #tpu.memory_space<semaphore_mem>>)
      %dma_wait3A = arith.constant 0 : i32
      %dma_wait3A_14 = arith.constant 0 : i32
      %dma_wait3A_15 = tpu.memref_slice %arg2[%arg0, %arg1, %dma_wait3A, %dma_wait3A_14] : memref<2x16x10x1000xi32, #tpu.memory_space<hbm>> -> memref<1x1x10x1000xi32, #tpu.memory_space<hbm>>
      %dma_wait3A_16 = tpu.memref_squeeze %dma_wait3A_15 : memref<1x1x10x1000xi32, #tpu.memory_space<hbm>> -> memref<10x1000xi32, #tpu.memory_space<hbm>>
      %dma_wait3A_17 = arith.constant 0 : i32
      %dma_wait3A_18 = arith.constant 0 : i32
      %dma_wait3A_19 = tpu.memref_slice %arg2[%arg0, %arg1, %dma_wait3A_17, %dma_wait3A_18] : memref<2x16x10x1000xi32, #tpu.memory_space<hbm>> -> memref<1x1x10x1000xi32, #tpu.memory_space<hbm>>
      %dma_wait3A_20 = tpu.memref_squeeze %dma_wait3A_19 : memref<1x1x10x1000xi32, #tpu.memory_space<hbm>> -> memref<10x1000xi32, #tpu.memory_space<hbm>>
      tpu.wait_dma2 semaphore(%run_scoped3A : memref<!tpu.dma_semaphore, #tpu.memory_space<semaphore_mem>>) src(%dma_wait3A_20 : memref<10x1000xi32, #tpu.memory_space<hbm>>) dst(%arg6 : memref<10x1000xi32, #tpu.memory_space<vmem>>)
      tpu.yield
    }) : () -> ()
    %barrier3A = arith.constant 0 : index
    tpu.barrier barrier_id(%barrier3A)
    %scan3A = arith.constant 0 : i32
    %scan3A_1 = arith.constant 0 : i32
    %scan3A_2 = arith.constant 10 : i32
    %scan3A_3 = arith.addi %scan3A_1, %scan3A_2 : i32
    %scan3A_4 = arith.constant 1 : i32
    scf.for %scan3A_7 = %scan3A_1 to %scan3A_3 step %scan3A_4  : i32 {
      "tpu.region"() ({
        %run_scoped3A = tpu.sem_alloc : memref<!tpu.dma_semaphore, #tpu.memory_space<semaphore_mem>>
        %dma_start3A = arith.constant 0 : i32
        %dma_start3A_8 = tpu.memref_slice %arg6[%scan3A_7, %dma_start3A] : memref<10x1000xi32, #tpu.memory_space<vmem>> -> memref<1x1000xi32, #tpu.memory_space<vmem>>
        %dma_start3A_9 = tpu.memref_squeeze %dma_start3A_8 : memref<1x1000xi32, #tpu.memory_space<vmem>> -> memref<1000xi32, #tpu.memory_space<vmem>>
        %dma_start3A_10 = arith.constant 0 : i32
        %dma_start3A_11 = arith.constant 0 : i32
        %dma_start3A_12 = tpu.memref_slice %arg8[%dma_start3A_10, %dma_start3A_11] : memref<10112x16xf32, #tpu.memory_space<vmem_shared>> -> memref<10112x16xf32, #tpu.memory_space<vmem_shared>>
        tpu.enqueue_indirect_dma source(%arg7 : memref<1000x16xf32, #tpu.memory_space<vmem>>) target(%dma_start3A_12 : memref<10112x16xf32, #tpu.memory_space<vmem_shared>>) offsets(%dma_start3A_9 : memref<1000xi32, #tpu.memory_space<vmem>>) semaphore(%run_scoped3A : memref<!tpu.dma_semaphore, #tpu.memory_space<semaphore_mem>>) {add = true}
        %dma_wait3A = arith.constant 0 : i32
        %dma_wait3A_13 = tpu.memref_slice %arg6[%scan3A_7, %dma_wait3A] : memref<10x1000xi32, #tpu.memory_space<vmem>> -> memref<1x1000xi32, #tpu.memory_space<vmem>>
        %dma_wait3A_14 = tpu.memref_squeeze %dma_wait3A_13 : memref<1x1000xi32, #tpu.memory_space<vmem>> -> memref<1000xi32, #tpu.memory_space<vmem>>
        %dma_wait3A_15 = arith.constant 0 : i32
        %dma_wait3A_16 = arith.constant 0 : i32
        %dma_wait3A_17 = tpu.memref_slice %arg8[%dma_wait3A_15, %dma_wait3A_16] : memref<10112x16xf32, #tpu.memory_space<vmem_shared>> -> memref<10112x16xf32, #tpu.memory_space<vmem_shared>>
        tpu.wait_indirect_dma semaphore(%run_scoped3A : memref<!tpu.dma_semaphore, #tpu.memory_space<semaphore_mem>>) src(%arg7 : memref<1000x16xf32, #tpu.memory_space<vmem>>) dst(%dma_wait3A_17 : memref<10112x16xf32, #tpu.memory_space<vmem_shared>>)
        tpu.yield
      }) : () -> ()
    }
    %scan3A_5 = arith.constant 10 : i32
    %barrier3A_6 = arith.constant 0 : index
    tpu.barrier barrier_id(%barrier3A_6)
    "tpu.region"() ({
      %run_scoped3A = tpu.sem_alloc : memref<!tpu.dma_semaphore, #tpu.memory_space<semaphore_mem>>
      %dma_start3A = arith.constant 0 : i32
      %dma_start3A_7 = tpu.memref_slice %arg5[%arg0, %mul3A_0, %dma_start3A] : memref<2x10112x16xf32, #tpu.memory_space<hbm>> -> memref<1x632x16xf32, #tpu.memory_space<hbm>>
      %dma_start3A_8 = tpu.memref_squeeze %dma_start3A_7 : memref<1x632x16xf32, #tpu.memory_space<hbm>> -> memref<632x16xf32, #tpu.memory_space<hbm>>
      %dma_start3A_9 = arith.constant 0 : i32
      %dma_start3A_10 = tpu.memref_slice %arg8[%mul3A_0, %dma_start3A_9] : memref<10112x16xf32, #tpu.memory_space<vmem_shared>> -> memref<632x16xf32, #tpu.memory_space<vmem_shared>>
      tpu.enqueue_dma source(%dma_start3A_10 : memref<632x16xf32, #tpu.memory_space<vmem_shared>>) target(%dma_start3A_8 : memref<632x16xf32, #tpu.memory_space<hbm>>) target_semaphore(%run_scoped3A : memref<!tpu.dma_semaphore, #tpu.memory_space<semaphore_mem>>)
      %dma_wait3A = arith.constant 0 : i32
      %dma_wait3A_11 = tpu.memref_slice %arg5[%arg0, %mul3A_0, %dma_wait3A] : memref<2x10112x16xf32, #tpu.memory_space<hbm>> -> memref<1x632x16xf32, #tpu.memory_space<hbm>>
      %dma_wait3A_12 = tpu.memref_squeeze %dma_wait3A_11 : memref<1x632x16xf32, #tpu.memory_space<hbm>> -> memref<632x16xf32, #tpu.memory_space<hbm>>
      %dma_wait3A_13 = arith.constant 0 : i32
      %dma_wait3A_14 = tpu.memref_slice %arg8[%mul3A_0, %dma_wait3A_13] : memref<10112x16xf32, #tpu.memory_space<vmem_shared>> -> memref<632x16xf32, #tpu.memory_space<vmem_shared>>
      tpu.wait_dma2 semaphore(%run_scoped3A : memref<!tpu.dma_semaphore, #tpu.memory_space<semaphore_mem>>) src(%dma_wait3A_14 : memref<632x16xf32, #tpu.memory_space<vmem_shared>>) dst(%dma_wait3A_12 : memref<632x16xf32, #tpu.memory_space<hbm>>)
      tpu.yield
    }) : () -> ()
    return
  }
}

#map = affine_map<(d0, d1) -> (0, 0)>
#map1 = affine_map<(d0, d1) -> (0, 0, 0, 0)>
#map2 = affine_map<(d0, d1) -> (0, 0, 0)>
module attributes {stable_mosaic.version = 14 : i64} {
  func.func @_sc_edge_body(%arg0: i32, %arg1: i32, %arg2: memref<10112x16xf32, #tpu.memory_space<hbm>>, %arg3: memref<2x16x10x1000xi32, #tpu.memory_space<hbm>>, %arg4: memref<2x16x10x1000xi32, #tpu.memory_space<hbm>>, %arg5: memref<10112x16xf32, #tpu.memory_space<hbm>>, %arg6: memref<2x10112x16xf32, #tpu.memory_space<hbm>>, %arg7: memref<10x1000xi32, #tpu.memory_space<vmem>>, %arg8: memref<10x1000xi32, #tpu.memory_space<vmem>>, %arg9: memref<2x1000x16xf32, #tpu.memory_space<vmem>>, %arg10: memref<10112x16xf32, #tpu.memory_space<vmem_shared>>, %arg11: memref<10112x16xf32, #tpu.memory_space<vmem_shared>>, %arg12: memref<!tpu.dma_semaphore, #tpu.memory_space<semaphore_mem>>, %arg13: memref<!tpu.dma_semaphore, #tpu.memory_space<semaphore_mem>>) attributes {dimension_semantics = [#tpu.dimension_semantics<core_parallel>, #tpu.dimension_semantics<subcore_parallel>], iteration_bounds = array<i64: 2, 16>, scalar_prefetch = 0 : i64, scratch_operands = 7 : i64, tpu.core_type = #tpu.core_type<sc_vector_subcore>, window_params = [{transform_indices = #map}, {transform_indices = #map1}, {transform_indices = #map1}, {transform_indices = #map}, {transform_indices = #map2}]} {
    %mul3A = arith.constant 632 : i32
    %mul3A_0 = arith.muli %arg1, %mul3A : i32
    "tpu.region"() ({
      %run_scoped3A = tpu.sem_alloc : memref<!tpu.dma_semaphore, #tpu.memory_space<semaphore_mem>>
      %dma_start3A_53 = arith.constant 0 : i32
      %dma_start3A_54 = tpu.memref_slice %arg11[%mul3A_0, %dma_start3A_53] : memref<10112x16xf32, #tpu.memory_space<vmem_shared>> -> memref<632x16xf32, #tpu.memory_space<vmem_shared>>
      %dma_start3A_55 = arith.constant 0 : i32
      %dma_start3A_56 = tpu.memref_slice %arg5[%mul3A_0, %dma_start3A_55] : memref<10112x16xf32, #tpu.memory_space<hbm>> -> memref<632x16xf32, #tpu.memory_space<hbm>>
      tpu.enqueue_dma source(%dma_start3A_56 : memref<632x16xf32, #tpu.memory_space<hbm>>) target(%dma_start3A_54 : memref<632x16xf32, #tpu.memory_space<vmem_shared>>) target_semaphore(%run_scoped3A : memref<!tpu.dma_semaphore, #tpu.memory_space<semaphore_mem>>)
      %dma_wait3A_57 = arith.constant 0 : i32
      %dma_wait3A_58 = tpu.memref_slice %arg11[%mul3A_0, %dma_wait3A_57] : memref<10112x16xf32, #tpu.memory_space<vmem_shared>> -> memref<632x16xf32, #tpu.memory_space<vmem_shared>>
      %dma_wait3A_59 = arith.constant 0 : i32
      %dma_wait3A_60 = tpu.memref_slice %arg5[%mul3A_0, %dma_wait3A_59] : memref<10112x16xf32, #tpu.memory_space<hbm>> -> memref<632x16xf32, #tpu.memory_space<hbm>>
      tpu.wait_dma2 semaphore(%run_scoped3A : memref<!tpu.dma_semaphore, #tpu.memory_space<semaphore_mem>>) src(%dma_wait3A_60 : memref<632x16xf32, #tpu.memory_space<hbm>>) dst(%dma_wait3A_58 : memref<632x16xf32, #tpu.memory_space<vmem_shared>>)
      tpu.yield
    }) : () -> ()
    "tpu.region"() ({
      %run_scoped3A = tpu.sem_alloc : memref<!tpu.dma_semaphore, #tpu.memory_space<semaphore_mem>>
      %dma_start3A_53 = arith.constant 0 : i32
      %dma_start3A_54 = tpu.memref_slice %arg10[%mul3A_0, %dma_start3A_53] : memref<10112x16xf32, #tpu.memory_space<vmem_shared>> -> memref<632x16xf32, #tpu.memory_space<vmem_shared>>
      %dma_start3A_55 = arith.constant 0 : i32
      %dma_start3A_56 = tpu.memref_slice %arg2[%mul3A_0, %dma_start3A_55] : memref<10112x16xf32, #tpu.memory_space<hbm>> -> memref<632x16xf32, #tpu.memory_space<hbm>>
      tpu.enqueue_dma source(%dma_start3A_56 : memref<632x16xf32, #tpu.memory_space<hbm>>) target(%dma_start3A_54 : memref<632x16xf32, #tpu.memory_space<vmem_shared>>) target_semaphore(%run_scoped3A : memref<!tpu.dma_semaphore, #tpu.memory_space<semaphore_mem>>)
      %dma_wait3A_57 = arith.constant 0 : i32
      %dma_wait3A_58 = tpu.memref_slice %arg10[%mul3A_0, %dma_wait3A_57] : memref<10112x16xf32, #tpu.memory_space<vmem_shared>> -> memref<632x16xf32, #tpu.memory_space<vmem_shared>>
      %dma_wait3A_59 = arith.constant 0 : i32
      %dma_wait3A_60 = tpu.memref_slice %arg2[%mul3A_0, %dma_wait3A_59] : memref<10112x16xf32, #tpu.memory_space<hbm>> -> memref<632x16xf32, #tpu.memory_space<hbm>>
      tpu.wait_dma2 semaphore(%run_scoped3A : memref<!tpu.dma_semaphore, #tpu.memory_space<semaphore_mem>>) src(%dma_wait3A_60 : memref<632x16xf32, #tpu.memory_space<hbm>>) dst(%dma_wait3A_58 : memref<632x16xf32, #tpu.memory_space<vmem_shared>>)
      tpu.yield
    }) : () -> ()
    "tpu.region"() ({
      %run_scoped3A = tpu.sem_alloc : memref<!tpu.dma_semaphore, #tpu.memory_space<semaphore_mem>>
      %dma_start3A_53 = arith.constant 0 : i32
      %dma_start3A_54 = arith.constant 0 : i32
      %dma_start3A_55 = tpu.memref_slice %arg3[%arg0, %arg1, %dma_start3A_53, %dma_start3A_54] : memref<2x16x10x1000xi32, #tpu.memory_space<hbm>> -> memref<1x1x10x1000xi32, #tpu.memory_space<hbm>>
      %dma_start3A_56 = tpu.memref_squeeze %dma_start3A_55 : memref<1x1x10x1000xi32, #tpu.memory_space<hbm>> -> memref<10x1000xi32, #tpu.memory_space<hbm>>
      %dma_start3A_57 = arith.constant 0 : i32
      %dma_start3A_58 = arith.constant 0 : i32
      %dma_start3A_59 = tpu.memref_slice %arg3[%arg0, %arg1, %dma_start3A_57, %dma_start3A_58] : memref<2x16x10x1000xi32, #tpu.memory_space<hbm>> -> memref<1x1x10x1000xi32, #tpu.memory_space<hbm>>
      %dma_start3A_60 = tpu.memref_squeeze %dma_start3A_59 : memref<1x1x10x1000xi32, #tpu.memory_space<hbm>> -> memref<10x1000xi32, #tpu.memory_space<hbm>>
      tpu.enqueue_dma source(%dma_start3A_60 : memref<10x1000xi32, #tpu.memory_space<hbm>>) target(%arg7 : memref<10x1000xi32, #tpu.memory_space<vmem>>) target_semaphore(%run_scoped3A : memref<!tpu.dma_semaphore, #tpu.memory_space<semaphore_mem>>)
      %dma_wait3A_61 = arith.constant 0 : i32
      %dma_wait3A_62 = arith.constant 0 : i32
      %dma_wait3A_63 = tpu.memref_slice %arg3[%arg0, %arg1, %dma_wait3A_61, %dma_wait3A_62] : memref<2x16x10x1000xi32, #tpu.memory_space<hbm>> -> memref<1x1x10x1000xi32, #tpu.memory_space<hbm>>
      %dma_wait3A_64 = tpu.memref_squeeze %dma_wait3A_63 : memref<1x1x10x1000xi32, #tpu.memory_space<hbm>> -> memref<10x1000xi32, #tpu.memory_space<hbm>>
      %dma_wait3A_65 = arith.constant 0 : i32
      %dma_wait3A_66 = arith.constant 0 : i32
      %dma_wait3A_67 = tpu.memref_slice %arg3[%arg0, %arg1, %dma_wait3A_65, %dma_wait3A_66] : memref<2x16x10x1000xi32, #tpu.memory_space<hbm>> -> memref<1x1x10x1000xi32, #tpu.memory_space<hbm>>
      %dma_wait3A_68 = tpu.memref_squeeze %dma_wait3A_67 : memref<1x1x10x1000xi32, #tpu.memory_space<hbm>> -> memref<10x1000xi32, #tpu.memory_space<hbm>>
      tpu.wait_dma2 semaphore(%run_scoped3A : memref<!tpu.dma_semaphore, #tpu.memory_space<semaphore_mem>>) src(%dma_wait3A_68 : memref<10x1000xi32, #tpu.memory_space<hbm>>) dst(%arg7 : memref<10x1000xi32, #tpu.memory_space<vmem>>)
      tpu.yield
    }) : () -> ()
    "tpu.region"() ({
      %run_scoped3A = tpu.sem_alloc : memref<!tpu.dma_semaphore, #tpu.memory_space<semaphore_mem>>
      %dma_start3A_53 = arith.constant 0 : i32
      %dma_start3A_54 = arith.constant 0 : i32
      %dma_start3A_55 = tpu.memref_slice %arg4[%arg0, %arg1, %dma_start3A_53, %dma_start3A_54] : memref<2x16x10x1000xi32, #tpu.memory_space<hbm>> -> memref<1x1x10x1000xi32, #tpu.memory_space<hbm>>
      %dma_start3A_56 = tpu.memref_squeeze %dma_start3A_55 : memref<1x1x10x1000xi32, #tpu.memory_space<hbm>> -> memref<10x1000xi32, #tpu.memory_space<hbm>>
      %dma_start3A_57 = arith.constant 0 : i32
      %dma_start3A_58 = arith.constant 0 : i32
      %dma_start3A_59 = tpu.memref_slice %arg4[%arg0, %arg1, %dma_start3A_57, %dma_start3A_58] : memref<2x16x10x1000xi32, #tpu.memory_space<hbm>> -> memref<1x1x10x1000xi32, #tpu.memory_space<hbm>>
      %dma_start3A_60 = tpu.memref_squeeze %dma_start3A_59 : memref<1x1x10x1000xi32, #tpu.memory_space<hbm>> -> memref<10x1000xi32, #tpu.memory_space<hbm>>
      tpu.enqueue_dma source(%dma_start3A_60 : memref<10x1000xi32, #tpu.memory_space<hbm>>) target(%arg8 : memref<10x1000xi32, #tpu.memory_space<vmem>>) target_semaphore(%run_scoped3A : memref<!tpu.dma_semaphore, #tpu.memory_space<semaphore_mem>>)
      %dma_wait3A_61 = arith.constant 0 : i32
      %dma_wait3A_62 = arith.constant 0 : i32
      %dma_wait3A_63 = tpu.memref_slice %arg4[%arg0, %arg1, %dma_wait3A_61, %dma_wait3A_62] : memref<2x16x10x1000xi32, #tpu.memory_space<hbm>> -> memref<1x1x10x1000xi32, #tpu.memory_space<hbm>>
      %dma_wait3A_64 = tpu.memref_squeeze %dma_wait3A_63 : memref<1x1x10x1000xi32, #tpu.memory_space<hbm>> -> memref<10x1000xi32, #tpu.memory_space<hbm>>
      %dma_wait3A_65 = arith.constant 0 : i32
      %dma_wait3A_66 = arith.constant 0 : i32
      %dma_wait3A_67 = tpu.memref_slice %arg4[%arg0, %arg1, %dma_wait3A_65, %dma_wait3A_66] : memref<2x16x10x1000xi32, #tpu.memory_space<hbm>> -> memref<1x1x10x1000xi32, #tpu.memory_space<hbm>>
      %dma_wait3A_68 = tpu.memref_squeeze %dma_wait3A_67 : memref<1x1x10x1000xi32, #tpu.memory_space<hbm>> -> memref<10x1000xi32, #tpu.memory_space<hbm>>
      tpu.wait_dma2 semaphore(%run_scoped3A : memref<!tpu.dma_semaphore, #tpu.memory_space<semaphore_mem>>) src(%dma_wait3A_68 : memref<10x1000xi32, #tpu.memory_space<hbm>>) dst(%arg8 : memref<10x1000xi32, #tpu.memory_space<vmem>>)
      tpu.yield
    }) : () -> ()
    %barrier3A = arith.constant 0 : index
    tpu.barrier barrier_id(%barrier3A)
    %dma_start3A = arith.constant 0 : i32
    %dma_start3A_1 = arith.constant 0 : i32
    %dma_start3A_2 = arith.constant 0 : i32
    %dma_start3A_3 = arith.constant 0 : i32
    %dma_start3A_4 = tpu.memref_slice %arg9[%dma_start3A_1, %dma_start3A_2, %dma_start3A_3] : memref<2x1000x16xf32, #tpu.memory_space<vmem>> -> memref<1x1000x16xf32, #tpu.memory_space<vmem>>
    %dma_start3A_5 = tpu.memref_squeeze %dma_start3A_4 : memref<1x1000x16xf32, #tpu.memory_space<vmem>> -> memref<1000x16xf32, #tpu.memory_space<vmem>>
    %dma_start3A_6 = arith.constant 0 : i32
    %dma_start3A_7 = tpu.memref_slice %arg7[%dma_start3A, %dma_start3A_6] : memref<10x1000xi32, #tpu.memory_space<vmem>> -> memref<1x1000xi32, #tpu.memory_space<vmem>>
    %dma_start3A_8 = tpu.memref_squeeze %dma_start3A_7 : memref<1x1000xi32, #tpu.memory_space<vmem>> -> memref<1000xi32, #tpu.memory_space<vmem>>
    %dma_start3A_9 = arith.constant 0 : i32
    %dma_start3A_10 = arith.constant 0 : i32
    %dma_start3A_11 = tpu.memref_slice %arg10[%dma_start3A_9, %dma_start3A_10] : memref<10112x16xf32, #tpu.memory_space<vmem_shared>> -> memref<10112x16xf32, #tpu.memory_space<vmem_shared>>
    tpu.enqueue_indirect_dma source(%dma_start3A_11 : memref<10112x16xf32, #tpu.memory_space<vmem_shared>>) target(%dma_start3A_5 : memref<1000x16xf32, #tpu.memory_space<vmem>>) offsets(%dma_start3A_8 : memref<1000xi32, #tpu.memory_space<vmem>>) semaphore(%arg12 : memref<!tpu.dma_semaphore, #tpu.memory_space<semaphore_mem>>)
    %dma_wait3A = arith.constant 0 : i32
    %dma_wait3A_12 = arith.constant 0 : i32
    %dma_wait3A_13 = arith.constant 0 : i32
    %dma_wait3A_14 = arith.constant 0 : i32
    %dma_wait3A_15 = tpu.memref_slice %arg9[%dma_wait3A_12, %dma_wait3A_13, %dma_wait3A_14] : memref<2x1000x16xf32, #tpu.memory_space<vmem>> -> memref<1x1000x16xf32, #tpu.memory_space<vmem>>
    %dma_wait3A_16 = tpu.memref_squeeze %dma_wait3A_15 : memref<1x1000x16xf32, #tpu.memory_space<vmem>> -> memref<1000x16xf32, #tpu.memory_space<vmem>>
    %dma_wait3A_17 = arith.constant 0 : i32
    %dma_wait3A_18 = tpu.memref_slice %arg7[%dma_wait3A, %dma_wait3A_17] : memref<10x1000xi32, #tpu.memory_space<vmem>> -> memref<1x1000xi32, #tpu.memory_space<vmem>>
    %dma_wait3A_19 = tpu.memref_squeeze %dma_wait3A_18 : memref<1x1000xi32, #tpu.memory_space<vmem>> -> memref<1000xi32, #tpu.memory_space<vmem>>
    %dma_wait3A_20 = arith.constant 0 : i32
    %dma_wait3A_21 = arith.constant 0 : i32
    %dma_wait3A_22 = tpu.memref_slice %arg10[%dma_wait3A_20, %dma_wait3A_21] : memref<10112x16xf32, #tpu.memory_space<vmem_shared>> -> memref<10112x16xf32, #tpu.memory_space<vmem_shared>>
    tpu.wait_indirect_dma semaphore(%arg12 : memref<!tpu.dma_semaphore, #tpu.memory_space<semaphore_mem>>) src(%dma_wait3A_22 : memref<10112x16xf32, #tpu.memory_space<vmem_shared>>) dst(%dma_wait3A_16 : memref<1000x16xf32, #tpu.memory_space<vmem>>)
    %scan3A = arith.constant 0 : i32
    %scan3A_23 = arith.constant 0 : i32
    %scan3A_24 = arith.constant 9 : i32
    %scan3A_25 = arith.addi %scan3A_23, %scan3A_24 : i32
    %scan3A_26 = arith.constant 1 : i32
    scf.for %scan3A_53 = %scan3A_23 to %scan3A_25 step %scan3A_26  : i32 {
      %rem3A_54 = arith.constant 2 : i32
      %rem3A_55 = arith.remsi %scan3A_53, %rem3A_54 : i32
      %sub3A = arith.constant 1 : i32
      %sub3A_56 = arith.subi %sub3A, %rem3A_55 : i32
      %add3A = arith.constant 1 : i32
      %add3A_57 = arith.addi %scan3A_53, %add3A : i32
      %dma_start3A_58 = arith.constant 0 : i32
      %dma_start3A_59 = arith.constant 0 : i32
      %dma_start3A_60 = tpu.memref_slice %arg9[%sub3A_56, %dma_start3A_58, %dma_start3A_59] : memref<2x1000x16xf32, #tpu.memory_space<vmem>> -> memref<1x1000x16xf32, #tpu.memory_space<vmem>>
      %dma_start3A_61 = tpu.memref_squeeze %dma_start3A_60 : memref<1x1000x16xf32, #tpu.memory_space<vmem>> -> memref<1000x16xf32, #tpu.memory_space<vmem>>
      %dma_start3A_62 = arith.constant 0 : i32
      %dma_start3A_63 = tpu.memref_slice %arg7[%add3A_57, %dma_start3A_62] : memref<10x1000xi32, #tpu.memory_space<vmem>> -> memref<1x1000xi32, #tpu.memory_space<vmem>>
      %dma_start3A_64 = tpu.memref_squeeze %dma_start3A_63 : memref<1x1000xi32, #tpu.memory_space<vmem>> -> memref<1000xi32, #tpu.memory_space<vmem>>
      %dma_start3A_65 = arith.constant 0 : i32
      %dma_start3A_66 = arith.constant 0 : i32
      %dma_start3A_67 = tpu.memref_slice %arg10[%dma_start3A_65, %dma_start3A_66] : memref<10112x16xf32, #tpu.memory_space<vmem_shared>> -> memref<10112x16xf32, #tpu.memory_space<vmem_shared>>
      tpu.enqueue_indirect_dma source(%dma_start3A_67 : memref<10112x16xf32, #tpu.memory_space<vmem_shared>>) target(%dma_start3A_61 : memref<1000x16xf32, #tpu.memory_space<vmem>>) offsets(%dma_start3A_64 : memref<1000xi32, #tpu.memory_space<vmem>>) semaphore(%arg12 : memref<!tpu.dma_semaphore, #tpu.memory_space<semaphore_mem>>)
      %dma_start3A_68 = arith.constant 0 : i32
      %dma_start3A_69 = arith.constant 0 : i32
      %dma_start3A_70 = tpu.memref_slice %arg9[%rem3A_55, %dma_start3A_68, %dma_start3A_69] : memref<2x1000x16xf32, #tpu.memory_space<vmem>> -> memref<1x1000x16xf32, #tpu.memory_space<vmem>>
      %dma_start3A_71 = tpu.memref_squeeze %dma_start3A_70 : memref<1x1000x16xf32, #tpu.memory_space<vmem>> -> memref<1000x16xf32, #tpu.memory_space<vmem>>
      %dma_start3A_72 = arith.constant 0 : i32
      %dma_start3A_73 = tpu.memref_slice %arg8[%scan3A_53, %dma_start3A_72] : memref<10x1000xi32, #tpu.memory_space<vmem>> -> memref<1x1000xi32, #tpu.memory_space<vmem>>
      %dma_start3A_74 = tpu.memref_squeeze %dma_start3A_73 : memref<1x1000xi32, #tpu.memory_space<vmem>> -> memref<1000xi32, #tpu.memory_space<vmem>>
      %dma_start3A_75 = arith.constant 0 : i32
      %dma_start3A_76 = arith.constant 0 : i32
      %dma_start3A_77 = tpu.memref_slice %arg11[%dma_start3A_75, %dma_start3A_76] : memref<10112x16xf32, #tpu.memory_space<vmem_shared>> -> memref<10112x16xf32, #tpu.memory_space<vmem_shared>>
      tpu.enqueue_indirect_dma source(%dma_start3A_71 : memref<1000x16xf32, #tpu.memory_space<vmem>>) target(%dma_start3A_77 : memref<10112x16xf32, #tpu.memory_space<vmem_shared>>) offsets(%dma_start3A_74 : memref<1000xi32, #tpu.memory_space<vmem>>) semaphore(%arg13 : memref<!tpu.dma_semaphore, #tpu.memory_space<semaphore_mem>>) {add = true}
      %dma_wait3A_78 = arith.constant 0 : i32
      %dma_wait3A_79 = arith.constant 0 : i32
      %dma_wait3A_80 = tpu.memref_slice %arg9[%rem3A_55, %dma_wait3A_78, %dma_wait3A_79] : memref<2x1000x16xf32, #tpu.memory_space<vmem>> -> memref<1x1000x16xf32, #tpu.memory_space<vmem>>
      %dma_wait3A_81 = tpu.memref_squeeze %dma_wait3A_80 : memref<1x1000x16xf32, #tpu.memory_space<vmem>> -> memref<1000x16xf32, #tpu.memory_space<vmem>>
      %dma_wait3A_82 = arith.constant 0 : i32
      %dma_wait3A_83 = tpu.memref_slice %arg8[%scan3A_53, %dma_wait3A_82] : memref<10x1000xi32, #tpu.memory_space<vmem>> -> memref<1x1000xi32, #tpu.memory_space<vmem>>
      %dma_wait3A_84 = tpu.memref_squeeze %dma_wait3A_83 : memref<1x1000xi32, #tpu.memory_space<vmem>> -> memref<1000xi32, #tpu.memory_space<vmem>>
      %dma_wait3A_85 = arith.constant 0 : i32
      %dma_wait3A_86 = arith.constant 0 : i32
      %dma_wait3A_87 = tpu.memref_slice %arg11[%dma_wait3A_85, %dma_wait3A_86] : memref<10112x16xf32, #tpu.memory_space<vmem_shared>> -> memref<10112x16xf32, #tpu.memory_space<vmem_shared>>
      tpu.wait_indirect_dma semaphore(%arg13 : memref<!tpu.dma_semaphore, #tpu.memory_space<semaphore_mem>>) src(%dma_wait3A_81 : memref<1000x16xf32, #tpu.memory_space<vmem>>) dst(%dma_wait3A_87 : memref<10112x16xf32, #tpu.memory_space<vmem_shared>>)
      %dma_wait3A_88 = arith.constant 0 : i32
      %dma_wait3A_89 = arith.constant 0 : i32
      %dma_wait3A_90 = tpu.memref_slice %arg9[%sub3A_56, %dma_wait3A_88, %dma_wait3A_89] : memref<2x1000x16xf32, #tpu.memory_space<vmem>> -> memref<1x1000x16xf32, #tpu.memory_space<vmem>>
      %dma_wait3A_91 = tpu.memref_squeeze %dma_wait3A_90 : memref<1x1000x16xf32, #tpu.memory_space<vmem>> -> memref<1000x16xf32, #tpu.memory_space<vmem>>
      %dma_wait3A_92 = arith.constant 0 : i32
      %dma_wait3A_93 = tpu.memref_slice %arg7[%add3A_57, %dma_wait3A_92] : memref<10x1000xi32, #tpu.memory_space<vmem>> -> memref<1x1000xi32, #tpu.memory_space<vmem>>
      %dma_wait3A_94 = tpu.memref_squeeze %dma_wait3A_93 : memref<1x1000xi32, #tpu.memory_space<vmem>> -> memref<1000xi32, #tpu.memory_space<vmem>>
      %dma_wait3A_95 = arith.constant 0 : i32
      %dma_wait3A_96 = arith.constant 0 : i32
      %dma_wait3A_97 = tpu.memref_slice %arg10[%dma_wait3A_95, %dma_wait3A_96] : memref<10112x16xf32, #tpu.memory_space<vmem_shared>> -> memref<10112x16xf32, #tpu.memory_space<vmem_shared>>
      tpu.wait_indirect_dma semaphore(%arg12 : memref<!tpu.dma_semaphore, #tpu.memory_space<semaphore_mem>>) src(%dma_wait3A_97 : memref<10112x16xf32, #tpu.memory_space<vmem_shared>>) dst(%dma_wait3A_91 : memref<1000x16xf32, #tpu.memory_space<vmem>>)
    }
    %scan3A_27 = arith.constant 9 : i32
    %rem3A = arith.constant 9 : i32
    %rem3A_28 = arith.constant 2 : i32
    %rem3A_29 = arith.remsi %rem3A, %rem3A_28 : i32
    %dma_start3A_30 = arith.constant 9 : i32
    %dma_start3A_31 = arith.constant 0 : i32
    %dma_start3A_32 = arith.constant 0 : i32
    %dma_start3A_33 = tpu.memref_slice %arg9[%rem3A_29, %dma_start3A_31, %dma_start3A_32] : memref<2x1000x16xf32, #tpu.memory_space<vmem>> -> memref<1x1000x16xf32, #tpu.memory_space<vmem>>
    %dma_start3A_34 = tpu.memref_squeeze %dma_start3A_33 : memref<1x1000x16xf32, #tpu.memory_space<vmem>> -> memref<1000x16xf32, #tpu.memory_space<vmem>>
    %dma_start3A_35 = arith.constant 0 : i32
    %dma_start3A_36 = tpu.memref_slice %arg8[%dma_start3A_30, %dma_start3A_35] : memref<10x1000xi32, #tpu.memory_space<vmem>> -> memref<1x1000xi32, #tpu.memory_space<vmem>>
    %dma_start3A_37 = tpu.memref_squeeze %dma_start3A_36 : memref<1x1000xi32, #tpu.memory_space<vmem>> -> memref<1000xi32, #tpu.memory_space<vmem>>
    %dma_start3A_38 = arith.constant 0 : i32
    %dma_start3A_39 = arith.constant 0 : i32
    %dma_start3A_40 = tpu.memref_slice %arg11[%dma_start3A_38, %dma_start3A_39] : memref<10112x16xf32, #tpu.memory_space<vmem_shared>> -> memref<10112x16xf32, #tpu.memory_space<vmem_shared>>
    tpu.enqueue_indirect_dma source(%dma_start3A_34 : memref<1000x16xf32, #tpu.memory_space<vmem>>) target(%dma_start3A_40 : memref<10112x16xf32, #tpu.memory_space<vmem_shared>>) offsets(%dma_start3A_37 : memref<1000xi32, #tpu.memory_space<vmem>>) semaphore(%arg13 : memref<!tpu.dma_semaphore, #tpu.memory_space<semaphore_mem>>) {add = true}
    %dma_wait3A_41 = arith.constant 9 : i32
    %dma_wait3A_42 = arith.constant 0 : i32
    %dma_wait3A_43 = arith.constant 0 : i32
    %dma_wait3A_44 = tpu.memref_slice %arg9[%rem3A_29, %dma_wait3A_42, %dma_wait3A_43] : memref<2x1000x16xf32, #tpu.memory_space<vmem>> -> memref<1x1000x16xf32, #tpu.memory_space<vmem>>
    %dma_wait3A_45 = tpu.memref_squeeze %dma_wait3A_44 : memref<1x1000x16xf32, #tpu.memory_space<vmem>> -> memref<1000x16xf32, #tpu.memory_space<vmem>>
    %dma_wait3A_46 = arith.constant 0 : i32
    %dma_wait3A_47 = tpu.memref_slice %arg8[%dma_wait3A_41, %dma_wait3A_46] : memref<10x1000xi32, #tpu.memory_space<vmem>> -> memref<1x1000xi32, #tpu.memory_space<vmem>>
    %dma_wait3A_48 = tpu.memref_squeeze %dma_wait3A_47 : memref<1x1000xi32, #tpu.memory_space<vmem>> -> memref<1000xi32, #tpu.memory_space<vmem>>
    %dma_wait3A_49 = arith.constant 0 : i32
    %dma_wait3A_50 = arith.constant 0 : i32
    %dma_wait3A_51 = tpu.memref_slice %arg11[%dma_wait3A_49, %dma_wait3A_50] : memref<10112x16xf32, #tpu.memory_space<vmem_shared>> -> memref<10112x16xf32, #tpu.memory_space<vmem_shared>>
    tpu.wait_indirect_dma semaphore(%arg13 : memref<!tpu.dma_semaphore, #tpu.memory_space<semaphore_mem>>) src(%dma_wait3A_45 : memref<1000x16xf32, #tpu.memory_space<vmem>>) dst(%dma_wait3A_51 : memref<10112x16xf32, #tpu.memory_space<vmem_shared>>)
    %barrier3A_52 = arith.constant 0 : index
    tpu.barrier barrier_id(%barrier3A_52)
    "tpu.region"() ({
      %run_scoped3A = tpu.sem_alloc : memref<!tpu.dma_semaphore, #tpu.memory_space<semaphore_mem>>
      %dma_start3A_53 = arith.constant 0 : i32
      %dma_start3A_54 = tpu.memref_slice %arg6[%arg0, %mul3A_0, %dma_start3A_53] : memref<2x10112x16xf32, #tpu.memory_space<hbm>> -> memref<1x632x16xf32, #tpu.memory_space<hbm>>
      %dma_start3A_55 = tpu.memref_squeeze %dma_start3A_54 : memref<1x632x16xf32, #tpu.memory_space<hbm>> -> memref<632x16xf32, #tpu.memory_space<hbm>>
      %dma_start3A_56 = arith.constant 0 : i32
      %dma_start3A_57 = tpu.memref_slice %arg11[%mul3A_0, %dma_start3A_56] : memref<10112x16xf32, #tpu.memory_space<vmem_shared>> -> memref<632x16xf32, #tpu.memory_space<vmem_shared>>
      tpu.enqueue_dma source(%dma_start3A_57 : memref<632x16xf32, #tpu.memory_space<vmem_shared>>) target(%dma_start3A_55 : memref<632x16xf32, #tpu.memory_space<hbm>>) target_semaphore(%run_scoped3A : memref<!tpu.dma_semaphore, #tpu.memory_space<semaphore_mem>>)
      %dma_wait3A_58 = arith.constant 0 : i32
      %dma_wait3A_59 = tpu.memref_slice %arg6[%arg0, %mul3A_0, %dma_wait3A_58] : memref<2x10112x16xf32, #tpu.memory_space<hbm>> -> memref<1x632x16xf32, #tpu.memory_space<hbm>>
      %dma_wait3A_60 = tpu.memref_squeeze %dma_wait3A_59 : memref<1x632x16xf32, #tpu.memory_space<hbm>> -> memref<632x16xf32, #tpu.memory_space<hbm>>
      %dma_wait3A_61 = arith.constant 0 : i32
      %dma_wait3A_62 = tpu.memref_slice %arg11[%mul3A_0, %dma_wait3A_61] : memref<10112x16xf32, #tpu.memory_space<vmem_shared>> -> memref<632x16xf32, #tpu.memory_space<vmem_shared>>
      tpu.wait_dma2 semaphore(%run_scoped3A : memref<!tpu.dma_semaphore, #tpu.memory_space<semaphore_mem>>) src(%dma_wait3A_62 : memref<632x16xf32, #tpu.memory_space<vmem_shared>>) dst(%dma_wait3A_60 : memref<632x16xf32, #tpu.memory_space<hbm>>)
      tpu.yield
    }) : () -> ()
    return
  }
}

#map = affine_map<(d0, d1) -> (0, 0)>
#map1 = affine_map<(d0, d1) -> (0, 0, 0, 0)>
#map2 = affine_map<(d0, d1) -> (0, 0, 0)>
module attributes {stable_mosaic.version = 14 : i64} {
  func.func @_sc_edge_body(%arg0: i32, %arg1: i32, %arg2: memref<10112x16xf32, #tpu.memory_space<hbm>>, %arg3: memref<2x16x10x1000xi32, #tpu.memory_space<hbm>>, %arg4: memref<2x16x10x1000xi32, #tpu.memory_space<hbm>>, %arg5: memref<10112x16xf32, #tpu.memory_space<hbm>>, %arg6: memref<2x10112x16xf32, #tpu.memory_space<hbm>>, %arg7: memref<10x1000xi32, #tpu.memory_space<vmem>>, %arg8: memref<10x1000xi32, #tpu.memory_space<vmem>>, %arg9: memref<2x1000x16xf32, #tpu.memory_space<vmem>>, %arg10: memref<10112x16xf32, #tpu.memory_space<vmem_shared>>, %arg11: memref<10112x16xf32, #tpu.memory_space<vmem_shared>>, %arg12: memref<!tpu.dma_semaphore, #tpu.memory_space<semaphore_mem>>, %arg13: memref<!tpu.dma_semaphore, #tpu.memory_space<semaphore_mem>>) attributes {dimension_semantics = [#tpu.dimension_semantics<core_parallel>, #tpu.dimension_semantics<subcore_parallel>], iteration_bounds = array<i64: 2, 16>, scalar_prefetch = 0 : i64, scratch_operands = 7 : i64, tpu.core_type = #tpu.core_type<sc_vector_subcore>, window_params = [{transform_indices = #map}, {transform_indices = #map1}, {transform_indices = #map1}, {transform_indices = #map}, {transform_indices = #map2}]} {
    %mul3A = arith.constant 632 : i32
    %mul3A_0 = arith.muli %arg1, %mul3A : i32
    "tpu.region"() ({
      %run_scoped3A = tpu.sem_alloc : memref<!tpu.dma_semaphore, #tpu.memory_space<semaphore_mem>>
      %dma_start3A_53 = arith.constant 0 : i32
      %dma_start3A_54 = tpu.memref_slice %arg11[%mul3A_0, %dma_start3A_53] : memref<10112x16xf32, #tpu.memory_space<vmem_shared>> -> memref<632x16xf32, #tpu.memory_space<vmem_shared>>
      %dma_start3A_55 = arith.constant 0 : i32
      %dma_start3A_56 = tpu.memref_slice %arg5[%mul3A_0, %dma_start3A_55] : memref<10112x16xf32, #tpu.memory_space<hbm>> -> memref<632x16xf32, #tpu.memory_space<hbm>>
      tpu.enqueue_dma source(%dma_start3A_56 : memref<632x16xf32, #tpu.memory_space<hbm>>) target(%dma_start3A_54 : memref<632x16xf32, #tpu.memory_space<vmem_shared>>) target_semaphore(%run_scoped3A : memref<!tpu.dma_semaphore, #tpu.memory_space<semaphore_mem>>)
      %dma_wait3A_57 = arith.constant 0 : i32
      %dma_wait3A_58 = tpu.memref_slice %arg11[%mul3A_0, %dma_wait3A_57] : memref<10112x16xf32, #tpu.memory_space<vmem_shared>> -> memref<632x16xf32, #tpu.memory_space<vmem_shared>>
      %dma_wait3A_59 = arith.constant 0 : i32
      %dma_wait3A_60 = tpu.memref_slice %arg5[%mul3A_0, %dma_wait3A_59] : memref<10112x16xf32, #tpu.memory_space<hbm>> -> memref<632x16xf32, #tpu.memory_space<hbm>>
      tpu.wait_dma2 semaphore(%run_scoped3A : memref<!tpu.dma_semaphore, #tpu.memory_space<semaphore_mem>>) src(%dma_wait3A_60 : memref<632x16xf32, #tpu.memory_space<hbm>>) dst(%dma_wait3A_58 : memref<632x16xf32, #tpu.memory_space<vmem_shared>>)
      tpu.yield
    }) : () -> ()
    "tpu.region"() ({
      %run_scoped3A = tpu.sem_alloc : memref<!tpu.dma_semaphore, #tpu.memory_space<semaphore_mem>>
      %dma_start3A_53 = arith.constant 0 : i32
      %dma_start3A_54 = tpu.memref_slice %arg10[%mul3A_0, %dma_start3A_53] : memref<10112x16xf32, #tpu.memory_space<vmem_shared>> -> memref<632x16xf32, #tpu.memory_space<vmem_shared>>
      %dma_start3A_55 = arith.constant 0 : i32
      %dma_start3A_56 = tpu.memref_slice %arg2[%mul3A_0, %dma_start3A_55] : memref<10112x16xf32, #tpu.memory_space<hbm>> -> memref<632x16xf32, #tpu.memory_space<hbm>>
      tpu.enqueue_dma source(%dma_start3A_56 : memref<632x16xf32, #tpu.memory_space<hbm>>) target(%dma_start3A_54 : memref<632x16xf32, #tpu.memory_space<vmem_shared>>) target_semaphore(%run_scoped3A : memref<!tpu.dma_semaphore, #tpu.memory_space<semaphore_mem>>)
      %dma_wait3A_57 = arith.constant 0 : i32
      %dma_wait3A_58 = tpu.memref_slice %arg10[%mul3A_0, %dma_wait3A_57] : memref<10112x16xf32, #tpu.memory_space<vmem_shared>> -> memref<632x16xf32, #tpu.memory_space<vmem_shared>>
      %dma_wait3A_59 = arith.constant 0 : i32
      %dma_wait3A_60 = tpu.memref_slice %arg2[%mul3A_0, %dma_wait3A_59] : memref<10112x16xf32, #tpu.memory_space<hbm>> -> memref<632x16xf32, #tpu.memory_space<hbm>>
      tpu.wait_dma2 semaphore(%run_scoped3A : memref<!tpu.dma_semaphore, #tpu.memory_space<semaphore_mem>>) src(%dma_wait3A_60 : memref<632x16xf32, #tpu.memory_space<hbm>>) dst(%dma_wait3A_58 : memref<632x16xf32, #tpu.memory_space<vmem_shared>>)
      tpu.yield
    }) : () -> ()
    "tpu.region"() ({
      %run_scoped3A = tpu.sem_alloc : memref<!tpu.dma_semaphore, #tpu.memory_space<semaphore_mem>>
      %dma_start3A_53 = arith.constant 0 : i32
      %dma_start3A_54 = arith.constant 0 : i32
      %dma_start3A_55 = tpu.memref_slice %arg3[%arg0, %arg1, %dma_start3A_53, %dma_start3A_54] : memref<2x16x10x1000xi32, #tpu.memory_space<hbm>> -> memref<1x1x10x1000xi32, #tpu.memory_space<hbm>>
      %dma_start3A_56 = tpu.memref_squeeze %dma_start3A_55 : memref<1x1x10x1000xi32, #tpu.memory_space<hbm>> -> memref<10x1000xi32, #tpu.memory_space<hbm>>
      %dma_start3A_57 = arith.constant 0 : i32
      %dma_start3A_58 = arith.constant 0 : i32
      %dma_start3A_59 = tpu.memref_slice %arg3[%arg0, %arg1, %dma_start3A_57, %dma_start3A_58] : memref<2x16x10x1000xi32, #tpu.memory_space<hbm>> -> memref<1x1x10x1000xi32, #tpu.memory_space<hbm>>
      %dma_start3A_60 = tpu.memref_squeeze %dma_start3A_59 : memref<1x1x10x1000xi32, #tpu.memory_space<hbm>> -> memref<10x1000xi32, #tpu.memory_space<hbm>>
      tpu.enqueue_dma source(%dma_start3A_60 : memref<10x1000xi32, #tpu.memory_space<hbm>>) target(%arg7 : memref<10x1000xi32, #tpu.memory_space<vmem>>) target_semaphore(%run_scoped3A : memref<!tpu.dma_semaphore, #tpu.memory_space<semaphore_mem>>)
      %dma_wait3A_61 = arith.constant 0 : i32
      %dma_wait3A_62 = arith.constant 0 : i32
      %dma_wait3A_63 = tpu.memref_slice %arg3[%arg0, %arg1, %dma_wait3A_61, %dma_wait3A_62] : memref<2x16x10x1000xi32, #tpu.memory_space<hbm>> -> memref<1x1x10x1000xi32, #tpu.memory_space<hbm>>
      %dma_wait3A_64 = tpu.memref_squeeze %dma_wait3A_63 : memref<1x1x10x1000xi32, #tpu.memory_space<hbm>> -> memref<10x1000xi32, #tpu.memory_space<hbm>>
      %dma_wait3A_65 = arith.constant 0 : i32
      %dma_wait3A_66 = arith.constant 0 : i32
      %dma_wait3A_67 = tpu.memref_slice %arg3[%arg0, %arg1, %dma_wait3A_65, %dma_wait3A_66] : memref<2x16x10x1000xi32, #tpu.memory_space<hbm>> -> memref<1x1x10x1000xi32, #tpu.memory_space<hbm>>
      %dma_wait3A_68 = tpu.memref_squeeze %dma_wait3A_67 : memref<1x1x10x1000xi32, #tpu.memory_space<hbm>> -> memref<10x1000xi32, #tpu.memory_space<hbm>>
      tpu.wait_dma2 semaphore(%run_scoped3A : memref<!tpu.dma_semaphore, #tpu.memory_space<semaphore_mem>>) src(%dma_wait3A_68 : memref<10x1000xi32, #tpu.memory_space<hbm>>) dst(%arg7 : memref<10x1000xi32, #tpu.memory_space<vmem>>)
      tpu.yield
    }) : () -> ()
    "tpu.region"() ({
      %run_scoped3A = tpu.sem_alloc : memref<!tpu.dma_semaphore, #tpu.memory_space<semaphore_mem>>
      %dma_start3A_53 = arith.constant 0 : i32
      %dma_start3A_54 = arith.constant 0 : i32
      %dma_start3A_55 = tpu.memref_slice %arg4[%arg0, %arg1, %dma_start3A_53, %dma_start3A_54] : memref<2x16x10x1000xi32, #tpu.memory_space<hbm>> -> memref<1x1x10x1000xi32, #tpu.memory_space<hbm>>
      %dma_start3A_56 = tpu.memref_squeeze %dma_start3A_55 : memref<1x1x10x1000xi32, #tpu.memory_space<hbm>> -> memref<10x1000xi32, #tpu.memory_space<hbm>>
      %dma_start3A_57 = arith.constant 0 : i32
      %dma_start3A_58 = arith.constant 0 : i32
      %dma_start3A_59 = tpu.memref_slice %arg4[%arg0, %arg1, %dma_start3A_57, %dma_start3A_58] : memref<2x16x10x1000xi32, #tpu.memory_space<hbm>> -> memref<1x1x10x1000xi32, #tpu.memory_space<hbm>>
      %dma_start3A_60 = tpu.memref_squeeze %dma_start3A_59 : memref<1x1x10x1000xi32, #tpu.memory_space<hbm>> -> memref<10x1000xi32, #tpu.memory_space<hbm>>
      tpu.enqueue_dma source(%dma_start3A_60 : memref<10x1000xi32, #tpu.memory_space<hbm>>) target(%arg8 : memref<10x1000xi32, #tpu.memory_space<vmem>>) target_semaphore(%run_scoped3A : memref<!tpu.dma_semaphore, #tpu.memory_space<semaphore_mem>>)
      %dma_wait3A_61 = arith.constant 0 : i32
      %dma_wait3A_62 = arith.constant 0 : i32
      %dma_wait3A_63 = tpu.memref_slice %arg4[%arg0, %arg1, %dma_wait3A_61, %dma_wait3A_62] : memref<2x16x10x1000xi32, #tpu.memory_space<hbm>> -> memref<1x1x10x1000xi32, #tpu.memory_space<hbm>>
      %dma_wait3A_64 = tpu.memref_squeeze %dma_wait3A_63 : memref<1x1x10x1000xi32, #tpu.memory_space<hbm>> -> memref<10x1000xi32, #tpu.memory_space<hbm>>
      %dma_wait3A_65 = arith.constant 0 : i32
      %dma_wait3A_66 = arith.constant 0 : i32
      %dma_wait3A_67 = tpu.memref_slice %arg4[%arg0, %arg1, %dma_wait3A_65, %dma_wait3A_66] : memref<2x16x10x1000xi32, #tpu.memory_space<hbm>> -> memref<1x1x10x1000xi32, #tpu.memory_space<hbm>>
      %dma_wait3A_68 = tpu.memref_squeeze %dma_wait3A_67 : memref<1x1x10x1000xi32, #tpu.memory_space<hbm>> -> memref<10x1000xi32, #tpu.memory_space<hbm>>
      tpu.wait_dma2 semaphore(%run_scoped3A : memref<!tpu.dma_semaphore, #tpu.memory_space<semaphore_mem>>) src(%dma_wait3A_68 : memref<10x1000xi32, #tpu.memory_space<hbm>>) dst(%arg8 : memref<10x1000xi32, #tpu.memory_space<vmem>>)
      tpu.yield
    }) : () -> ()
    %barrier3A = arith.constant 0 : index
    tpu.barrier barrier_id(%barrier3A)
    %dma_start3A = arith.constant 0 : i32
    %dma_start3A_1 = arith.constant 0 : i32
    %dma_start3A_2 = arith.constant 0 : i32
    %dma_start3A_3 = arith.constant 0 : i32
    %dma_start3A_4 = tpu.memref_slice %arg9[%dma_start3A_1, %dma_start3A_2, %dma_start3A_3] : memref<2x1000x16xf32, #tpu.memory_space<vmem>> -> memref<1x1000x16xf32, #tpu.memory_space<vmem>>
    %dma_start3A_5 = tpu.memref_squeeze %dma_start3A_4 : memref<1x1000x16xf32, #tpu.memory_space<vmem>> -> memref<1000x16xf32, #tpu.memory_space<vmem>>
    %dma_start3A_6 = arith.constant 0 : i32
    %dma_start3A_7 = tpu.memref_slice %arg7[%dma_start3A, %dma_start3A_6] : memref<10x1000xi32, #tpu.memory_space<vmem>> -> memref<1x1000xi32, #tpu.memory_space<vmem>>
    %dma_start3A_8 = tpu.memref_squeeze %dma_start3A_7 : memref<1x1000xi32, #tpu.memory_space<vmem>> -> memref<1000xi32, #tpu.memory_space<vmem>>
    %dma_start3A_9 = arith.constant 0 : i32
    %dma_start3A_10 = arith.constant 0 : i32
    %dma_start3A_11 = tpu.memref_slice %arg10[%dma_start3A_9, %dma_start3A_10] : memref<10112x16xf32, #tpu.memory_space<vmem_shared>> -> memref<10112x16xf32, #tpu.memory_space<vmem_shared>>
    tpu.enqueue_indirect_dma source(%dma_start3A_11 : memref<10112x16xf32, #tpu.memory_space<vmem_shared>>) target(%dma_start3A_5 : memref<1000x16xf32, #tpu.memory_space<vmem>>) offsets(%dma_start3A_8 : memref<1000xi32, #tpu.memory_space<vmem>>) semaphore(%arg12 : memref<!tpu.dma_semaphore, #tpu.memory_space<semaphore_mem>>)
    %dma_wait3A = arith.constant 0 : i32
    %dma_wait3A_12 = arith.constant 0 : i32
    %dma_wait3A_13 = arith.constant 0 : i32
    %dma_wait3A_14 = arith.constant 0 : i32
    %dma_wait3A_15 = tpu.memref_slice %arg9[%dma_wait3A_12, %dma_wait3A_13, %dma_wait3A_14] : memref<2x1000x16xf32, #tpu.memory_space<vmem>> -> memref<1x1000x16xf32, #tpu.memory_space<vmem>>
    %dma_wait3A_16 = tpu.memref_squeeze %dma_wait3A_15 : memref<1x1000x16xf32, #tpu.memory_space<vmem>> -> memref<1000x16xf32, #tpu.memory_space<vmem>>
    %dma_wait3A_17 = arith.constant 0 : i32
    %dma_wait3A_18 = tpu.memref_slice %arg7[%dma_wait3A, %dma_wait3A_17] : memref<10x1000xi32, #tpu.memory_space<vmem>> -> memref<1x1000xi32, #tpu.memory_space<vmem>>
    %dma_wait3A_19 = tpu.memref_squeeze %dma_wait3A_18 : memref<1x1000xi32, #tpu.memory_space<vmem>> -> memref<1000xi32, #tpu.memory_space<vmem>>
    %dma_wait3A_20 = arith.constant 0 : i32
    %dma_wait3A_21 = arith.constant 0 : i32
    %dma_wait3A_22 = tpu.memref_slice %arg10[%dma_wait3A_20, %dma_wait3A_21] : memref<10112x16xf32, #tpu.memory_space<vmem_shared>> -> memref<10112x16xf32, #tpu.memory_space<vmem_shared>>
    tpu.wait_indirect_dma semaphore(%arg12 : memref<!tpu.dma_semaphore, #tpu.memory_space<semaphore_mem>>) src(%dma_wait3A_22 : memref<10112x16xf32, #tpu.memory_space<vmem_shared>>) dst(%dma_wait3A_16 : memref<1000x16xf32, #tpu.memory_space<vmem>>)
    %scan3A = arith.constant 0 : i32
    %scan3A_23 = arith.constant 0 : i32
    %scan3A_24 = arith.constant 9 : i32
    %scan3A_25 = arith.addi %scan3A_23, %scan3A_24 : i32
    %scan3A_26 = arith.constant 1 : i32
    scf.for %scan3A_53 = %scan3A_23 to %scan3A_25 step %scan3A_26  : i32 {
      %rem3A_54 = arith.constant 2 : i32
      %rem3A_55 = arith.remsi %scan3A_53, %rem3A_54 : i32
      %sub3A = arith.constant 1 : i32
      %sub3A_56 = arith.subi %sub3A, %rem3A_55 : i32
      %add3A = arith.constant 1 : i32
      %add3A_57 = arith.addi %scan3A_53, %add3A : i32
      %dma_start3A_58 = arith.constant 0 : i32
      %dma_start3A_59 = arith.constant 0 : i32
      %dma_start3A_60 = tpu.memref_slice %arg9[%sub3A_56, %dma_start3A_58, %dma_start3A_59] : memref<2x1000x16xf32, #tpu.memory_space<vmem>> -> memref<1x1000x16xf32, #tpu.memory_space<vmem>>
      %dma_start3A_61 = tpu.memref_squeeze %dma_start3A_60 : memref<1x1000x16xf32, #tpu.memory_space<vmem>> -> memref<1000x16xf32, #tpu.memory_space<vmem>>
      %dma_start3A_62 = arith.constant 0 : i32
      %dma_start3A_63 = tpu.memref_slice %arg7[%add3A_57, %dma_start3A_62] : memref<10x1000xi32, #tpu.memory_space<vmem>> -> memref<1x1000xi32, #tpu.memory_space<vmem>>
      %dma_start3A_64 = tpu.memref_squeeze %dma_start3A_63 : memref<1x1000xi32, #tpu.memory_space<vmem>> -> memref<1000xi32, #tpu.memory_space<vmem>>
      %dma_start3A_65 = arith.constant 0 : i32
      %dma_start3A_66 = arith.constant 0 : i32
      %dma_start3A_67 = tpu.memref_slice %arg10[%dma_start3A_65, %dma_start3A_66] : memref<10112x16xf32, #tpu.memory_space<vmem_shared>> -> memref<10112x16xf32, #tpu.memory_space<vmem_shared>>
      tpu.enqueue_indirect_dma source(%dma_start3A_67 : memref<10112x16xf32, #tpu.memory_space<vmem_shared>>) target(%dma_start3A_61 : memref<1000x16xf32, #tpu.memory_space<vmem>>) offsets(%dma_start3A_64 : memref<1000xi32, #tpu.memory_space<vmem>>) semaphore(%arg12 : memref<!tpu.dma_semaphore, #tpu.memory_space<semaphore_mem>>)
      %dma_start3A_68 = arith.constant 0 : i32
      %dma_start3A_69 = arith.constant 0 : i32
      %dma_start3A_70 = tpu.memref_slice %arg9[%rem3A_55, %dma_start3A_68, %dma_start3A_69] : memref<2x1000x16xf32, #tpu.memory_space<vmem>> -> memref<1x1000x16xf32, #tpu.memory_space<vmem>>
      %dma_start3A_71 = tpu.memref_squeeze %dma_start3A_70 : memref<1x1000x16xf32, #tpu.memory_space<vmem>> -> memref<1000x16xf32, #tpu.memory_space<vmem>>
      %dma_start3A_72 = arith.constant 0 : i32
      %dma_start3A_73 = tpu.memref_slice %arg8[%scan3A_53, %dma_start3A_72] : memref<10x1000xi32, #tpu.memory_space<vmem>> -> memref<1x1000xi32, #tpu.memory_space<vmem>>
      %dma_start3A_74 = tpu.memref_squeeze %dma_start3A_73 : memref<1x1000xi32, #tpu.memory_space<vmem>> -> memref<1000xi32, #tpu.memory_space<vmem>>
      %dma_start3A_75 = arith.constant 0 : i32
      %dma_start3A_76 = arith.constant 0 : i32
      %dma_start3A_77 = tpu.memref_slice %arg11[%dma_start3A_75, %dma_start3A_76] : memref<10112x16xf32, #tpu.memory_space<vmem_shared>> -> memref<10112x16xf32, #tpu.memory_space<vmem_shared>>
      tpu.enqueue_indirect_dma source(%dma_start3A_71 : memref<1000x16xf32, #tpu.memory_space<vmem>>) target(%dma_start3A_77 : memref<10112x16xf32, #tpu.memory_space<vmem_shared>>) offsets(%dma_start3A_74 : memref<1000xi32, #tpu.memory_space<vmem>>) semaphore(%arg13 : memref<!tpu.dma_semaphore, #tpu.memory_space<semaphore_mem>>) {add = true}
      %dma_wait3A_78 = arith.constant 0 : i32
      %dma_wait3A_79 = arith.constant 0 : i32
      %dma_wait3A_80 = tpu.memref_slice %arg9[%rem3A_55, %dma_wait3A_78, %dma_wait3A_79] : memref<2x1000x16xf32, #tpu.memory_space<vmem>> -> memref<1x1000x16xf32, #tpu.memory_space<vmem>>
      %dma_wait3A_81 = tpu.memref_squeeze %dma_wait3A_80 : memref<1x1000x16xf32, #tpu.memory_space<vmem>> -> memref<1000x16xf32, #tpu.memory_space<vmem>>
      %dma_wait3A_82 = arith.constant 0 : i32
      %dma_wait3A_83 = tpu.memref_slice %arg8[%scan3A_53, %dma_wait3A_82] : memref<10x1000xi32, #tpu.memory_space<vmem>> -> memref<1x1000xi32, #tpu.memory_space<vmem>>
      %dma_wait3A_84 = tpu.memref_squeeze %dma_wait3A_83 : memref<1x1000xi32, #tpu.memory_space<vmem>> -> memref<1000xi32, #tpu.memory_space<vmem>>
      %dma_wait3A_85 = arith.constant 0 : i32
      %dma_wait3A_86 = arith.constant 0 : i32
      %dma_wait3A_87 = tpu.memref_slice %arg11[%dma_wait3A_85, %dma_wait3A_86] : memref<10112x16xf32, #tpu.memory_space<vmem_shared>> -> memref<10112x16xf32, #tpu.memory_space<vmem_shared>>
      tpu.wait_indirect_dma semaphore(%arg13 : memref<!tpu.dma_semaphore, #tpu.memory_space<semaphore_mem>>) src(%dma_wait3A_81 : memref<1000x16xf32, #tpu.memory_space<vmem>>) dst(%dma_wait3A_87 : memref<10112x16xf32, #tpu.memory_space<vmem_shared>>)
      %dma_wait3A_88 = arith.constant 0 : i32
      %dma_wait3A_89 = arith.constant 0 : i32
      %dma_wait3A_90 = tpu.memref_slice %arg9[%sub3A_56, %dma_wait3A_88, %dma_wait3A_89] : memref<2x1000x16xf32, #tpu.memory_space<vmem>> -> memref<1x1000x16xf32, #tpu.memory_space<vmem>>
      %dma_wait3A_91 = tpu.memref_squeeze %dma_wait3A_90 : memref<1x1000x16xf32, #tpu.memory_space<vmem>> -> memref<1000x16xf32, #tpu.memory_space<vmem>>
      %dma_wait3A_92 = arith.constant 0 : i32
      %dma_wait3A_93 = tpu.memref_slice %arg7[%add3A_57, %dma_wait3A_92] : memref<10x1000xi32, #tpu.memory_space<vmem>> -> memref<1x1000xi32, #tpu.memory_space<vmem>>
      %dma_wait3A_94 = tpu.memref_squeeze %dma_wait3A_93 : memref<1x1000xi32, #tpu.memory_space<vmem>> -> memref<1000xi32, #tpu.memory_space<vmem>>
      %dma_wait3A_95 = arith.constant 0 : i32
      %dma_wait3A_96 = arith.constant 0 : i32
      %dma_wait3A_97 = tpu.memref_slice %arg10[%dma_wait3A_95, %dma_wait3A_96] : memref<10112x16xf32, #tpu.memory_space<vmem_shared>> -> memref<10112x16xf32, #tpu.memory_space<vmem_shared>>
      tpu.wait_indirect_dma semaphore(%arg12 : memref<!tpu.dma_semaphore, #tpu.memory_space<semaphore_mem>>) src(%dma_wait3A_97 : memref<10112x16xf32, #tpu.memory_space<vmem_shared>>) dst(%dma_wait3A_91 : memref<1000x16xf32, #tpu.memory_space<vmem>>)
    }
    %scan3A_27 = arith.constant 9 : i32
    %rem3A = arith.constant 9 : i32
    %rem3A_28 = arith.constant 2 : i32
    %rem3A_29 = arith.remsi %rem3A, %rem3A_28 : i32
    %dma_start3A_30 = arith.constant 9 : i32
    %dma_start3A_31 = arith.constant 0 : i32
    %dma_start3A_32 = arith.constant 0 : i32
    %dma_start3A_33 = tpu.memref_slice %arg9[%rem3A_29, %dma_start3A_31, %dma_start3A_32] : memref<2x1000x16xf32, #tpu.memory_space<vmem>> -> memref<1x1000x16xf32, #tpu.memory_space<vmem>>
    %dma_start3A_34 = tpu.memref_squeeze %dma_start3A_33 : memref<1x1000x16xf32, #tpu.memory_space<vmem>> -> memref<1000x16xf32, #tpu.memory_space<vmem>>
    %dma_start3A_35 = arith.constant 0 : i32
    %dma_start3A_36 = tpu.memref_slice %arg8[%dma_start3A_30, %dma_start3A_35] : memref<10x1000xi32, #tpu.memory_space<vmem>> -> memref<1x1000xi32, #tpu.memory_space<vmem>>
    %dma_start3A_37 = tpu.memref_squeeze %dma_start3A_36 : memref<1x1000xi32, #tpu.memory_space<vmem>> -> memref<1000xi32, #tpu.memory_space<vmem>>
    %dma_start3A_38 = arith.constant 0 : i32
    %dma_start3A_39 = arith.constant 0 : i32
    %dma_start3A_40 = tpu.memref_slice %arg11[%dma_start3A_38, %dma_start3A_39] : memref<10112x16xf32, #tpu.memory_space<vmem_shared>> -> memref<10112x16xf32, #tpu.memory_space<vmem_shared>>
    tpu.enqueue_indirect_dma source(%dma_start3A_34 : memref<1000x16xf32, #tpu.memory_space<vmem>>) target(%dma_start3A_40 : memref<10112x16xf32, #tpu.memory_space<vmem_shared>>) offsets(%dma_start3A_37 : memref<1000xi32, #tpu.memory_space<vmem>>) semaphore(%arg13 : memref<!tpu.dma_semaphore, #tpu.memory_space<semaphore_mem>>) {add = true}
    %dma_wait3A_41 = arith.constant 9 : i32
    %dma_wait3A_42 = arith.constant 0 : i32
    %dma_wait3A_43 = arith.constant 0 : i32
    %dma_wait3A_44 = tpu.memref_slice %arg9[%rem3A_29, %dma_wait3A_42, %dma_wait3A_43] : memref<2x1000x16xf32, #tpu.memory_space<vmem>> -> memref<1x1000x16xf32, #tpu.memory_space<vmem>>
    %dma_wait3A_45 = tpu.memref_squeeze %dma_wait3A_44 : memref<1x1000x16xf32, #tpu.memory_space<vmem>> -> memref<1000x16xf32, #tpu.memory_space<vmem>>
    %dma_wait3A_46 = arith.constant 0 : i32
    %dma_wait3A_47 = tpu.memref_slice %arg8[%dma_wait3A_41, %dma_wait3A_46] : memref<10x1000xi32, #tpu.memory_space<vmem>> -> memref<1x1000xi32, #tpu.memory_space<vmem>>
    %dma_wait3A_48 = tpu.memref_squeeze %dma_wait3A_47 : memref<1x1000xi32, #tpu.memory_space<vmem>> -> memref<1000xi32, #tpu.memory_space<vmem>>
    %dma_wait3A_49 = arith.constant 0 : i32
    %dma_wait3A_50 = arith.constant 0 : i32
    %dma_wait3A_51 = tpu.memref_slice %arg11[%dma_wait3A_49, %dma_wait3A_50] : memref<10112x16xf32, #tpu.memory_space<vmem_shared>> -> memref<10112x16xf32, #tpu.memory_space<vmem_shared>>
    tpu.wait_indirect_dma semaphore(%arg13 : memref<!tpu.dma_semaphore, #tpu.memory_space<semaphore_mem>>) src(%dma_wait3A_45 : memref<1000x16xf32, #tpu.memory_space<vmem>>) dst(%dma_wait3A_51 : memref<10112x16xf32, #tpu.memory_space<vmem_shared>>)
    %barrier3A_52 = arith.constant 0 : index
    tpu.barrier barrier_id(%barrier3A_52)
    "tpu.region"() ({
      %run_scoped3A = tpu.sem_alloc : memref<!tpu.dma_semaphore, #tpu.memory_space<semaphore_mem>>
      %dma_start3A_53 = arith.constant 0 : i32
      %dma_start3A_54 = tpu.memref_slice %arg6[%arg0, %mul3A_0, %dma_start3A_53] : memref<2x10112x16xf32, #tpu.memory_space<hbm>> -> memref<1x632x16xf32, #tpu.memory_space<hbm>>
      %dma_start3A_55 = tpu.memref_squeeze %dma_start3A_54 : memref<1x632x16xf32, #tpu.memory_space<hbm>> -> memref<632x16xf32, #tpu.memory_space<hbm>>
      %dma_start3A_56 = arith.constant 0 : i32
      %dma_start3A_57 = tpu.memref_slice %arg11[%mul3A_0, %dma_start3A_56] : memref<10112x16xf32, #tpu.memory_space<vmem_shared>> -> memref<632x16xf32, #tpu.memory_space<vmem_shared>>
      tpu.enqueue_dma source(%dma_start3A_57 : memref<632x16xf32, #tpu.memory_space<vmem_shared>>) target(%dma_start3A_55 : memref<632x16xf32, #tpu.memory_space<hbm>>) target_semaphore(%run_scoped3A : memref<!tpu.dma_semaphore, #tpu.memory_space<semaphore_mem>>)
      %dma_wait3A_58 = arith.constant 0 : i32
      %dma_wait3A_59 = tpu.memref_slice %arg6[%arg0, %mul3A_0, %dma_wait3A_58] : memref<2x10112x16xf32, #tpu.memory_space<hbm>> -> memref<1x632x16xf32, #tpu.memory_space<hbm>>
      %dma_wait3A_60 = tpu.memref_squeeze %dma_wait3A_59 : memref<1x632x16xf32, #tpu.memory_space<hbm>> -> memref<632x16xf32, #tpu.memory_space<hbm>>
      %dma_wait3A_61 = arith.constant 0 : i32
      %dma_wait3A_62 = tpu.memref_slice %arg11[%mul3A_0, %dma_wait3A_61] : memref<10112x16xf32, #tpu.memory_space<vmem_shared>> -> memref<632x16xf32, #tpu.memory_space<vmem_shared>>
      tpu.wait_dma2 semaphore(%run_scoped3A : memref<!tpu.dma_semaphore, #tpu.memory_space<semaphore_mem>>) src(%dma_wait3A_62 : memref<632x16xf32, #tpu.memory_space<vmem_shared>>) dst(%dma_wait3A_60 : memref<632x16xf32, #tpu.memory_space<hbm>>)
      tpu.yield
    }) : () -> ()
    return
  }
}

module attributes {stable_mosaic.version = 14 : i64} {
  func.func @body(%arg0: memref<10112x128xf32, #tpu.memory_space<vmem>>, %arg1: memref<128x16xf32, #tpu.memory_space<vmem>>, %arg2: memref<10112x16xf32, #tpu.memory_space<vmem>>) attributes {dimension_semantics = [], scalar_prefetch = 0 : i64, scratch_operands = 0 : i64, tpu.core_type = #tpu.core_type<tc>} {
    %get3A = arith.constant 0 : index
    %get3A_0 = arith.constant 0 : index
    %get3A_1 = vector.load %arg0[%get3A, %get3A_0] : memref<10112x128xf32, #tpu.memory_space<vmem>>, vector<10112x128xf32>
    %get3A_2 = arith.constant 0 : index
    %get3A_3 = arith.constant 0 : index
    %get3A_4 = vector.load %arg1[%get3A_2, %get3A_3] : memref<128x16xf32, #tpu.memory_space<vmem>>, vector<128x16xf32>
    %dot_general3A = arith.constant dense<0.000000e+00> : vector<10112x16xf32>
    %dot_general3A_5 = tpu.matmul %get3A_1, %get3A_4, %dot_general3A {dimension_numbers = #tpu.dot_dimension_numbers<[1], [0], [0], [1], [0, 0, 1, 1], [], []>, transpose_lhs_hint = false} : vector<10112x128xf32>, vector<128x16xf32>, vector<10112x16xf32> -> vector<10112x16xf32>
    %swap3A = arith.constant 0 : index
    %swap3A_6 = arith.constant 0 : index
    %swap3A_7 = vector.load %arg2[%swap3A, %swap3A_6] : memref<10112x16xf32, #tpu.memory_space<vmem>>, vector<10112x16xf32>
    tpu.vector_store %arg2[%swap3A, %swap3A_6], %dot_general3A_5 {strides = array<i32>} : memref<10112x16xf32, #tpu.memory_space<vmem>>, vector<10112x16xf32>,
    return
  }
}

module attributes {stable_mosaic.version = 14 : i64} {
  func.func @body(%arg0: memref<2x1264x128xf32, #tpu.memory_space<vmem>>, %arg1: memref<1264x128xf32, #tpu.memory_space<vmem>>, %arg2: memref<1264x128xf32, #tpu.memory_space<vmem>>, %arg3: memref<1264x128xf32, #tpu.memory_space<vmem>>) attributes {dimension_semantics = [], scalar_prefetch = 0 : i64, scratch_operands = 0 : i64, tpu.core_type = #tpu.core_type<tc>} {
    %get3A = arith.constant 0 : index
    %get3A_0 = arith.constant 0 : index
    %get3A_1 = arith.constant 0 : index
    %get3A_2 = vector.load %arg0[%get3A, %get3A_0, %get3A_1] : memref<2x1264x128xf32, #tpu.memory_space<vmem>>, vector<1x1264x128xf32>
    %get3A_3 = vector.shape_cast %get3A_2 : vector<1x1264x128xf32> to vector<1264x128xf32>
    %get3A_4 = arith.constant 1 : index
    %get3A_5 = arith.constant 0 : index
    %get3A_6 = arith.constant 0 : index
    %get3A_7 = vector.load %arg0[%get3A_4, %get3A_5, %get3A_6] : memref<2x1264x128xf32, #tpu.memory_space<vmem>>, vector<1x1264x128xf32>
    %get3A_8 = vector.shape_cast %get3A_7 : vector<1x1264x128xf32> to vector<1264x128xf32>
    %add3A = arith.addf %get3A_3, %get3A_8 : vector<1264x128xf32>
    %add3A_9 = arith.constant 1.000000e+00 : f32
    %add3A_10 = vector.broadcast %add3A_9 : f32 to vector<1264x128xf32>
    %add3A_11 = arith.addf %add3A, %add3A_10 : vector<1264x128xf32>
    %rsqrt3A = math.rsqrt %add3A_11 : vector<1264x128xf32>
    %get3A_12 = arith.constant 0 : index
    %get3A_13 = arith.constant 0 : index
    %get3A_14 = vector.load %arg1[%get3A_12, %get3A_13] : memref<1264x128xf32, #tpu.memory_space<vmem>>, vector<1264x128xf32>
    %mul3A = arith.mulf %get3A_14, %rsqrt3A : vector<1264x128xf32>
    %swap3A = arith.constant 0 : index
    %swap3A_15 = arith.constant 0 : index
    %swap3A_16 = vector.load %arg2[%swap3A, %swap3A_15] : memref<1264x128xf32, #tpu.memory_space<vmem>>, vector<1264x128xf32>
    tpu.vector_store %arg2[%swap3A, %swap3A_15], %mul3A {strides = array<i32>} : memref<1264x128xf32, #tpu.memory_space<vmem>>, vector<1264x128xf32>,
    %swap3A_17 = arith.constant 0 : index
    %swap3A_18 = arith.constant 0 : index
    %swap3A_19 = vector.load %arg3[%swap3A_17, %swap3A_18] : memref<1264x128xf32, #tpu.memory_space<vmem>>, vector<1264x128xf32>
    tpu.vector_store %arg3[%swap3A_17, %swap3A_18], %rsqrt3A {strides = array<i32>} : memref<1264x128xf32, #tpu.memory_space<vmem>>, vector<1264x128xf32>,
    return
  }
}

module attributes {stable_mosaic.version = 14 : i64} {
  func.func @body(%arg0: memref<2x1264x128xf32, #tpu.memory_space<vmem>>, %arg1: memref<1264x128xf32, #tpu.memory_space<vmem>>, %arg2: memref<1264x128xf32, #tpu.memory_space<vmem>>, %arg3: memref<1x128xf32, #tpu.memory_space<vmem>>, %arg4: memref<1264x128xf32, #tpu.memory_space<vmem>>) attributes {dimension_semantics = [], scalar_prefetch = 0 : i64, scratch_operands = 0 : i64, tpu.core_type = #tpu.core_type<tc>} {
    %get3A = arith.constant 0 : index
    %get3A_0 = arith.constant 0 : index
    %get3A_1 = vector.load %arg1[%get3A, %get3A_0] : memref<1264x128xf32, #tpu.memory_space<vmem>>, vector<1264x128xf32>
    %get3A_2 = arith.constant 0 : index
    %get3A_3 = arith.constant 0 : index
    %get3A_4 = arith.constant 0 : index
    %get3A_5 = vector.load %arg0[%get3A_2, %get3A_3, %get3A_4] : memref<2x1264x128xf32, #tpu.memory_space<vmem>>, vector<1x1264x128xf32>
    %get3A_6 = vector.shape_cast %get3A_5 : vector<1x1264x128xf32> to vector<1264x128xf32>
    %get3A_7 = arith.constant 1 : index
    %get3A_8 = arith.constant 0 : index
    %get3A_9 = arith.constant 0 : index
    %get3A_10 = vector.load %arg0[%get3A_7, %get3A_8, %get3A_9] : memref<2x1264x128xf32, #tpu.memory_space<vmem>>, vector<1x1264x128xf32>
    %get3A_11 = vector.shape_cast %get3A_10 : vector<1x1264x128xf32> to vector<1264x128xf32>
    %add3A = arith.addf %get3A_6, %get3A_11 : vector<1264x128xf32>
    %mul3A = arith.mulf %get3A_1, %add3A : vector<1264x128xf32>
    %get3A_12 = arith.constant 0 : index
    %get3A_13 = arith.constant 0 : index
    %get3A_14 = vector.load %arg2[%get3A_12, %get3A_13] : memref<1264x128xf32, #tpu.memory_space<vmem>>, vector<1264x128xf32>
    %mul3A_15 = arith.mulf %get3A_14, %get3A_1 : vector<1264x128xf32>
    %mul3A_16 = arith.mulf %mul3A_15, %get3A_1 : vector<1264x128xf32>
    %add3A_17 = arith.addf %mul3A, %mul3A_16 : vector<1264x128xf32>
    %get3A_18 = arith.constant 0 : index
    %get3A_19 = arith.constant 0 : index
    %get3A_20 = vector.load %arg3[%get3A_18, %get3A_19] : memref<1x128xf32, #tpu.memory_space<vmem>>, vector<1x128xf32>
    %add3A_21 = vector.broadcast %get3A_20 : vector<1x128xf32> to vector<1264x128xf32>
    %add3A_22 = arith.addf %add3A_17, %add3A_21 : vector<1264x128xf32>
    %max3A = arith.constant 0.000000e+00 : f32
    %max3A_23 = vector.broadcast %max3A : f32 to vector<1264x128xf32>
    %max3A_24 = arith.maximumf %add3A_22, %max3A_23 : vector<1264x128xf32>
    %mul3A_25 = arith.mulf %max3A_24, %get3A_1 : vector<1264x128xf32>
    %swap3A = arith.constant 0 : index
    %swap3A_26 = arith.constant 0 : index
    %swap3A_27 = vector.load %arg4[%swap3A, %swap3A_26] : memref<1264x128xf32, #tpu.memory_space<vmem>>, vector<1264x128xf32>
    tpu.vector_store %arg4[%swap3A, %swap3A_26], %mul3A_25 {strides = array<i32>} : memref<1264x128xf32, #tpu.memory_space<vmem>>, vector<1264x128xf32>,
    return
  }
}

module attributes {stable_mosaic.version = 14 : i64} {
  func.func @body(%arg0: memref<2x1264x128xf32, #tpu.memory_space<vmem>>, %arg1: memref<1264x128xf32, #tpu.memory_space<vmem>>, %arg2: memref<1264x128xf32, #tpu.memory_space<vmem>>, %arg3: memref<128x128xf32, #tpu.memory_space<vmem>>, %arg4: memref<1x128xf32, #tpu.memory_space<vmem>>, %arg5: memref<1264x128xf32, #tpu.memory_space<vmem>>) attributes {dimension_semantics = [], scalar_prefetch = 0 : i64, scratch_operands = 0 : i64, tpu.core_type = #tpu.core_type<tc>} {
    %get3A = arith.constant 0 : index
    %get3A_0 = arith.constant 0 : index
    %get3A_1 = vector.load %arg1[%get3A, %get3A_0] : memref<1264x128xf32, #tpu.memory_space<vmem>>, vector<1264x128xf32>
    %get3A_2 = arith.constant 0 : index
    %get3A_3 = arith.constant 0 : index
    %get3A_4 = arith.constant 0 : index
    %get3A_5 = vector.load %arg0[%get3A_2, %get3A_3, %get3A_4] : memref<2x1264x128xf32, #tpu.memory_space<vmem>>, vector<1x1264x128xf32>
    %get3A_6 = vector.shape_cast %get3A_5 : vector<1x1264x128xf32> to vector<1264x128xf32>
    %get3A_7 = arith.constant 1 : index
    %get3A_8 = arith.constant 0 : index
    %get3A_9 = arith.constant 0 : index
    %get3A_10 = vector.load %arg0[%get3A_7, %get3A_8, %get3A_9] : memref<2x1264x128xf32, #tpu.memory_space<vmem>>, vector<1x1264x128xf32>
    %get3A_11 = vector.shape_cast %get3A_10 : vector<1x1264x128xf32> to vector<1264x128xf32>
    %add3A = arith.addf %get3A_6, %get3A_11 : vector<1264x128xf32>
    %mul3A = arith.mulf %get3A_1, %add3A : vector<1264x128xf32>
    %get3A_12 = arith.constant 0 : index
    %get3A_13 = arith.constant 0 : index
    %get3A_14 = vector.load %arg2[%get3A_12, %get3A_13] : memref<1264x128xf32, #tpu.memory_space<vmem>>, vector<1264x128xf32>
    %mul3A_15 = arith.mulf %get3A_14, %get3A_1 : vector<1264x128xf32>
    %add3A_16 = arith.addf %mul3A, %mul3A_15 : vector<1264x128xf32>
    %get3A_17 = arith.constant 0 : index
    %get3A_18 = arith.constant 0 : index
    %get3A_19 = vector.load %arg3[%get3A_17, %get3A_18] : memref<128x128xf32, #tpu.memory_space<vmem>>, vector<128x128xf32>
    %dot_general3A = arith.constant dense<0.000000e+00> : vector<1264x128xf32>
    %dot_general3A_20 = tpu.matmul %add3A_16, %get3A_19, %dot_general3A {dimension_numbers = #tpu.dot_dimension_numbers<[1], [0], [0], [1], [0, 0, 1, 1], [], []>, precision = #tpu.contract_precision<fp32>, transpose_lhs_hint = false} : vector<1264x128xf32>, vector<128x128xf32>, vector<1264x128xf32> -> vector<1264x128xf32>
    %get3A_21 = arith.constant 0 : index
    %get3A_22 = arith.constant 0 : index
    %get3A_23 = vector.load %arg4[%get3A_21, %get3A_22] : memref<1x128xf32, #tpu.memory_space<vmem>>, vector<1x128xf32>
    %add3A_24 = vector.broadcast %get3A_23 : vector<1x128xf32> to vector<1264x128xf32>
    %add3A_25 = arith.addf %dot_general3A_20, %add3A_24 : vector<1264x128xf32>
    %swap3A = arith.constant 0 : index
    %swap3A_26 = arith.constant 0 : index
    %swap3A_27 = vector.load %arg5[%swap3A, %swap3A_26] : memref<1264x128xf32, #tpu.memory_space<vmem>>, vector<1264x128xf32>
    tpu.vector_store %arg5[%swap3A, %swap3A_26], %add3A_25 {strides = array<i32>} : memref<1264x128xf32, #tpu.memory_space<vmem>>, vector<1264x128xf32>,
    return
  }
}

</mosaic_0001>

<sc_bundles>
// kernel: kernel.12.cloned.1.call-start
scs
__scs_entry_jumppad:
0x0: {  	(pc) =	sbr.rel $0x88, $3  }
0x1: {  	(tag) =	ssettag $0x0;
	lr =	simm.s32 $0x1  }
0x2: {  	[smem:$0x3F9B] =	sst lr;
	_ =	strace $0xD0000000  }
0x3: {  	_ = 	snop  }
0x4: {  	_ = 	snop  }
0x5: {  	_ = 	snop  }
0x6: {  	_ = 	snop  }
0x7: {  	_ = 	snop  }
__scs_overlays_trampoline_lowered:
0x8: {  	[smem:$0x3FAA] =	sst s0  }
0x9: {  	[smem:$0x3FAB] =	sst s1  }
0xa: {  	[smem:$0x3FAC] =	sst s2  }
0xb: {  	[smem:$0x3FAD] =	sst s3  }
0xc: {  	[smem:$0x3FAE] =	sst s4  }
0xd: {  	[smem:$0x3FAF] =	sst s5  }
0xe: {  	[smem:$0x3FB0] =	sst s6  }
0xf: {  	[smem:$0x3FB1] =	sst s7  }
0x10: {  	[smem:$0x3FB2] =	sst s8  }
0x11: {  	[smem:$0x3FB3] =	sst s9;
	s0 =	simm.s32 @!p0 $0x0  }
0x12: {  	s1 =	sld [smem:$0x3F99];
	s0 =	simm.s32 @p0 $0x1  }
0x13: {  	[smem:$0x3FB4] =	sst s0;
	s0 =	simm.s32 @!p1 $0x0  }
0x14: {  	s2 =	sld [smem:$0x3F98];
	s0 =	simm.s32 @p1 $0x1  }
0x15: {  	[smem:$0x3FB5] =	sst s0;
	s0 =	simm.s32 @!p2 $0x0  }
0x16: {  	s3 =	sld [smem:$0x3FDB];
	s0 =	simm.s32 @p2 $0x1  }
0x17: {  	s4 =	simm.s32 $0x1BF5;
	[smem:$0x3FB7] =	sst s0  }
0x18: {  	s0 =	sld [smem:$0x3F9A];
	_ =	swait.ge [sflag:s4], $0x0  }
0x19: {  	s7 =	sld [smem:$0x3F9B]  }
0x1a: {  	s8 =	sadd.s32 $0xFFFFE003, lr  }
0x1b: {  	s9 =	sadd.s32 $0xFFFFFEF7, lr;
	s5 =	simm.s32 $0xFFFFFFFF;
	p2 =	slt.u32 s8, $0xFFFFF086  }
0x1c: {  	p1 =	slt.u32 s9, $0xF7A;
	s5 =	simm.s32 @!p2 $0x0  }
0x1d: {  	s5 =	simm.s32 @p1 $0x1;
	p0 =	seq.s32 s7, s2  }
0x1e: {  	s7 =	smul.u32 @!p0 $0xF7A, s2;
	p2 =	seq.s32 @!p0 s5, $0x0  }
0x1f: {  	s9 =	smul.u32 $0xF7A, s1;
	s8 =	simm.s32 @!p0 $0x1BF5;
	p2 =	por !p2, p0  }
0x20: {  	[sflag:s8] =	ssyncset.s32 @!p0 $0xFFFFF086;
	s6 =	sadd.s32 @!p0 s3, s7;
	s7 =	simm.s32 @!p0 $0x108  }
0x21: {  	s3 =	sadd.s32 s3, s9;
	s6 =	sadd.s32 @!p0 $0x88, s6;
	s7 =	simm.s32 @p2 $0x1082  }
0x22: {  	[simem:s7], [sflag:s8] =	dma.local @!p0 [hbm:s6], $0xF7A  }
0x23: {  	s9 =	sor.u32 $0xD0000000, s2;
	s6 =	simm.s32 $0x108;
	_ =	swait.ge @!p0 [sflag:s8], $0x0  }
0x24: {  	s3 =	sadd.s32 $0x88, s3;
	s6 =	simm.s32 @!p1 $0x1082;
	[sflag:s4] =	ssyncset.s32 $0xFFFFF086  }
0x25: {  	[simem:s6], [sflag:s4] =	dma.local [hbm:s3], $0xF7A  }
0x26: {  	[smem:$0x3F9B] =	sst s1;
	(tag) =	ssettag s2;
	_ =	strace s9  }
0x27: {  	s1 =	sld [smem:$0x3FAB]  }
0x28: {  	s2 =	sld [smem:$0x3FAC]  }
0x29: {  	s4 =	sld [smem:$0x3FAE]  }
0x2a: {  	p0 =	seq.s32 s5, $0x0;
	s5 =	sld [smem:$0x3FAF]  }
0x2b: {  	s6 =	sld [smem:$0x3FB0]  }
0x2c: {  	s7 =	sld [smem:$0x3FB1]  }
0x2d: {  	s3 =	simm.s32 $0x108;
	s8 =	sld [smem:$0x3FB2]  }
0x2e: {  	s3 =	simm.s32 @!p0 $0x1082;
	s9 =	sld [smem:$0x3FB3]  }
0x2f: {  	lr =	sadd.s32 s0, s3;
	s0 =	sld [smem:$0x3FAA]  }
0x30: {  	s3 =	sld [smem:$0x3FAD]  }
0x31: {  	[smem:$0x3FB6] =	sst s10  }
0x32: {  	s10 =	sld [smem:$0x3FB4];
	_ =	sdelay $0x3  }
0x33: {  	p0 =	seq.s32 s10, $0x1;
	s10 =	sld [smem:$0x3FB6];
	_ =	sdelay $0x3  }
0x34: {  	[smem:$0x3FB6] =	sst s10  }
0x35: {  	s10 =	sld [smem:$0x3FB5];
	_ =	sdelay $0x3  }
0x36: {  	p1 =	seq.s32 s10, $0x1;
	s10 =	sld [smem:$0x3FB6];
	_ =	sdelay $0x3  }
0x37: {  	[smem:$0x3FB6] =	sst s10  }
0x38: {  	s10 =	sld [smem:$0x3FB7]  }
0x39: {  	_ = 	snop;
	(pc) =	sbr.ind lr, $3  }
0x3a: {  	_ = 	snop  }
0x3b: {  	_ = 	snop  }
0x3c: {  	p2 =	seq.s32 s10, $0x1;
	s10 =	sld [smem:$0x3FB6]  }
0x3d: {  	_ =	shalt  }
0x3e: {  	_ =	shalt  }
0x3f: {  	_ =	shalt  }
0x40: {  	_ =	shalt  }
0x41: {  	_ =	shalt  }
0x42: {  	_ =	shalt  }
0x43: {  	_ =	shalt  }
0x44: {  	_ =	shalt  }
0x45: {  	_ =	shalt  }
0x46: {  	_ =	shalt  }
0x47: {  	_ =	shalt  }
0x48: {  	_ =	shalt  }
0x49: {  	_ =	shalt  }
0x4a: {  	_ =	shalt  }
0x4b: {  	_ =	shalt  }
0x4c: {  	_ =	shalt  }
0x4d: {  	_ =	shalt  }
0x4e: {  	_ =	shalt  }
0x4f: {  	_ =	shalt  }
0x50: {  	_ =	shalt  }
0x51: {  	_ =	shalt  }
0x52: {  	_ =	shalt  }
0x53: {  	_ =	shalt  }
0x54: {  	_ =	shalt  }
0x55: {  	_ =	shalt  }
0x56: {  	_ =	shalt  }
0x57: {  	_ =	shalt  }
0x58: {  	_ =	shalt  }
0x59: {  	_ =	shalt  }
0x5a: {  	_ =	shalt  }
0x5b: {  	_ =	shalt  }
0x5c: {  	_ =	shalt  }
0x5d: {  	_ =	shalt  }
0x5e: {  	_ =	shalt  }
0x5f: {  	_ =	shalt  }
0x60: {  	_ =	shalt  }
0x61: {  	_ =	shalt  }
0x62: {  	_ =	shalt  }
0x63: {  	_ =	shalt  }
0x64: {  	_ =	shalt  }
0x65: {  	_ =	shalt  }
0x66: {  	_ =	shalt  }
0x67: {  	_ =	shalt  }
0x68: {  	_ =	shalt  }
0x69: {  	_ =	shalt  }
0x6a: {  	_ =	shalt  }
0x6b: {  	_ =	shalt  }
0x6c: {  	_ =	shalt  }
0x6d: {  	_ =	shalt  }
0x6e: {  	_ =	shalt  }
0x6f: {  	_ =	shalt  }
0x70: {  	_ =	shalt  }
0x71: {  	_ =	shalt  }
0x72: {  	_ =	shalt  }
0x73: {  	_ =	shalt  }
0x74: {  	_ =	shalt  }
0x75: {  	_ =	shalt  }
0x76: {  	_ =	shalt  }
0x77: {  	_ =	shalt  }
0x78: {  	_ =	shalt  }
0x79: {  	_ =	shalt  }
0x7a: {  	_ =	shalt  }
0x7b: {  	_ =	shalt  }
0x7c: {  	_ =	shalt  }
0x7d: {  	_ =	shalt  }
0x7e: {  	_ =	shalt  }
0x7f: {  	_ =	shalt  }
0x80: {  	_ =	shalt  }
0x81: {  	_ =	shalt  }
0x82: {  	_ =	shalt  }
0x83: {  	_ =	shalt  }
0x84: {  	_ =	shalt  }
0x85: {  	_ =	shalt  }
0x86: {  	_ =	shalt  }
0x87: {  	_ =	shalt  }
.Lfunc_end0:
.L_simem_size_0:
called_computation.1_lowered:
.L_overlay_start_0:
0x88: {  	s2 =	sld [smem:$0x3FD9]  }
0x89: {  	s3 =	sld [smem:$0x3FFE];
	_ =	sdelay $0x1  }
0x8a: {  	s1 =	srdreg.scid  }
0x8b: {  	s0 =	sand.u32 $0x1, s1  }
0x8c: {  	s17 =	sshll.u32 s0, $0xA;
	s2 =	sadd.s32 s3, s2  }
0x8d: {  	s2 =	sadd.s32 s2, s17  }
0x8e: {  	[smem:$0x3FC2] =	sst s2  }
0x8f: {  	_ = 	snop  }
0x90: {  	s2 =	sld [smem:$0x3FD0];
	(tm) =	ssettm $0x1  }
0x91: {  	s18 =	sld [smem:$0x3FFB];
	_ =	sdelay $0x3  }
0x92: {  	_ =	strace s18  }
0x93: {  	s3 =	sld [smem:$0x3FFC];
	_ =	sdelay $0x3  }
0x94: {  	_ =	strace s3  }
0x95: {  	s3 =	sld [smem:$0x3FFD];
	_ =	sdelay $0x3  }
0x96: {  	_ =	strace s3  }
0x97: {  	_ =	strace $0x8FFFFFFF  }
0x98: {  	s19 =	sld [smem:$0x3FDB];
	_ =	sdelay $0x1  }
0x99: {  	s4 =	simm.s32 $_scs_section_size  }
0x9a: {  	s5 =	simm.s32 $_size__tile_overlayer_lowered;
	s6 =	simm.s32 $_tile_overlayer_lowered  }
0x9b: {  	s22 =	simm.s32 $0x1BFF;
	s21 =	sshll.u32 s6, $0x1;
	s3 =	sadd.s32 s4, s19  }
0x9c: {  	s7 =	simm.s32 $0x0;
	s20 =	sshll.u32 s5, $0x1;
	s5 =	sadd.s32 s21, s3  }
0x9d: {  	[timem:s7], [sflag:s22] =	dma.local [hbm:s5], s20  }
0x9e: {  	_ =	swait.ge [sflag:s22], s20  }
0x9f: {  	s4 =	ssub.s32 $0x0, s20;
	[sflag:s22] =	ssyncset.done $0x0  }
0xa0: {  	[sflag:s22] =	ssyncadd.s32 s4;
	_ =	sdelay $0x1  }
0xa1: {  	s23 =	simm.s32 $0x1B8B  }
0xa2: {  	_ =	swait.ge [sflag:s23], $0x1  }
0xa3: {  	[sflag:s23] =	ssyncset.done $0x0  }
0xa4: {  	s25 =	simm.s32 $0x1B8E;
	s24 =	sld [smem:$0x3FFE];
	[sflag:s23] =	ssyncadd.s32 $0xFFFFFFFF  }
0xa5: {  	s26 =	simm.s32 $execute0_lowered;
	[smem:$0x3FD2] =	sst s25  }
0xa6: {  	s5 =	sshll.u32 s26, $0x1;
	_ =	strace $0x80000049;
	[dreg:$0x1] =	wrdreg $0xFFFFFFFF  }
0xa7: {  	s28 =	simm.s32 $_size_execute0_lowered;
	s3 =	sadd.s32 s3, s5;
	[dreg:$0x0] =	wrdreg $0x0  }
0xa8: {  	s5 =	sshll.u32 s28, $0x1;
	[dreg:$0x2] =	wrdreg s3  }
0xa9: {  	[dreg:$0x3] =	wrdreg s5  }
0xaa: {  	[dreg:$0x4] =	wrdreg $0xC0  }
0xab: {  	_ =	task [dreg:s7], $0x5FFFF  }
0xac: {  	[dreg:$0x1] =	wrdreg $0xFFFFFFFF  }
0xad: {  	[dreg:$0x0] =	wrdreg $0x60  }
0xae: {  	[dreg:$0x2] =	wrdreg s24  }
0xaf: {  	[dreg:$0x3] =	wrdreg s2  }
0xb0: {  	[dreg:$0x4] =	wrdreg $0xF2A00  }
0xb1: {  	[dreg:$0x5] =	wrdreg $0xCB200  }
0xb2: {  	[dreg:$0x6] =	wrdreg $0x9  }
0xb3: {  	_ =	task.clear_ibuf [dreg:s7], $0x7FFFF;
	_ =	strace $0x90000049  }
0xb4: {  	s29 =	simm.s32 $0x9;
	_ =	strace $0x8000004B  }
0xb5: {  	_ =	swait.ge [sflag:s29], $0x1  }
0xb6: {  	[sflag:s29] =	ssyncadd.s32 $0xFFFFFFFF  }
0xb7: {  	_ =	strace $0x9000004B  }
0xb8: {  	_ =	sfence  }
0xb9: {  	s30 =	sld [smem:$0x0];
	_ =	sdelay $0x2  }
0xba: {  	s31 =	sshll.u32 s1, $0xD;
	s1 =	sshrl.u32 s1, $0x2  }
0xbb: {  	s3 =	sand.u32 $0x4000, s31;
	s1 =	sadd.s32 s1, s30  }
0xbc: {  	s0 =	sor.u32 s3, s0;
	s1 =	sshll.u32 s1, $0x11  }
0xbd: {  	s0 =	sor.u32 s1, s0  }
0xbe: {  	s0 =	sadd.s32 $0x8F2B, s0  }
0xbf: {  	[sflag:s0] =	ssyncadd.remote.s32 $0x1  }
0xc0: {  	_ =	sfence.sel $0xFFFF  }
0xc1: {  	[dreg:$0x0] =	wrdreg $0xFFFFFFFF;
	(pc) =	sbr.abs _section_cstart, $3  }
0xc2: {  	[dreg:$0x1] =	wrdreg $0xFFFFFFFF  }
0xc3: {  	_ =	task.clear_ibuf [dreg:s7], $0x2FFFF;
	_ =	strace $0x9FFFFFFF  }
0xc4: {  	(tm) =	ssettm $0x7FFFFFFF  }
0xc5: {  	_ =	shalt  }
tec
execute0_lowered:
.L_overlay_start_1:
0x0: {  	(tag) =	ssettag $0x1  }
0x1: {  	s1 =	rddreg [dreg:$0x0]  }
0x2: {  	s4 =	rddreg [dreg:$0x1]  }
0x3: {  	s12 =	stileid.u32;
	s3 =	srdreg.scid  }
0x4: {  	s2 =	rddreg [dreg:$0x2];
	s18 =	simm.s32 $0x0;
	s31 =	simm.s32 $0x2710  }
0x5: {  	s29 =	simm.s32 $0x7D0;
	s30 =	simm.s32 $0x2AF8;
	s26 =	simm.s32 $0xBB8  }
0x6: {  	s28 =	simm.s32 $0x2EE0;
	s24 =	simm.s32 $0xFA0;
	s25 =	simm.s32 $0x32C8  }
0x7: {  	s22 =	simm.s32 $0x1388;
	s23 =	simm.s32 $0x36B0;
	s20 =	simm.s32 $0x1770  }
0x8: {  	s21 =	simm.s32 $0x3A98;
	p0 =	por $0x0, $0x0;
	s5 =	smul.u32 $0x2780, s12  }
0x9: {  	s6 =	sand.u32 $0x1, s3;
	s3 =	rddreg [dreg:$0x3];
	s8 =	smul.u32 $0x2710, s12  }
0xa: {  	[smem:$0x7FF] =	sst s18;
	s16 =	sshll.u32 s12, $0x6;
	s7 =	smul.u32 $0x27100, s6  }
0xb: {  	s9 =	smul.u32 $0x27800, s6;
	_ =	strace $0x8000004A;
	s6 =	ssub.s32 $0x2, s6  }
0xc: {  	s10 =	sshrl.u32 s5, $0x3;
	s11 =	sshrl.u32 s6, $0x1;
	s14 =	sadd.s32 s5, s2  }
0xd: {  	s17 =	sadd.s32 s5, s3;
	s7 =	sadd.s32 s8, s7;
	s0 =	sadd.s32 s10, s1  }
0xe: {  	s9 =	sadd.s32 s5, s9;
	s4 =	sadd.s32 s4, s10;
	s6 =	ssub.s32 s6, s11  }
0xf: {  	s5 =	simm.s32 $0x3;
	s11 =	simm.s32 $0x4E20;
	s10 =	simm.s32 $0x8CA0  }
0x10: {  	s8 =	simm.s32 $0x2;
	s7 =	sshrl.u32 s7, $0x3;
	s9 =	sshrl.u32 s9, $0x3  }
0x11: {  	[dreg:$0x5] =	wrdreg s4;
	s13 =	sadd.s32 $0xC000, s0;
	s4 =	sor.u32 $0x1C03, s16  }
0x12: {  	s19 =	smax.u32 s6, $0x1;
	s6 =	sshrl.u32 s14, $0x3;
	s16 =	simm.s32 $0x4268  }
0x13: {  	s14 =	simm.s32 $0x4650;
	s7 =	sadd.s32 s7, s1;
	s1 =	sadd.s32 s9, s1  }
0x14: {  	[dreg:$0x6] =	wrdreg s13;
	s9 =	simm.s32 $0x1;
	p1 =	sne.s32 s19, $0x1  }
.Ltmp0:
0x15: {  	s0 =	sadd.s32 $0xFFFFFFFF, s19;
	s15 =	sadd.s32 $0x16600, s7;
	(pc) =	sbr.rel @!p1 .LBB2_5-.Ltmp0, $4  }
0x16: {  	s19 =	simm.s32 $0x3E80;
	s7 =	sadd.s32 $0x2200, s7;
	[dreg:$0x7] =	wrdreg s15  }
0x17: {  	s13 =	simm.s32 $0x2328;
	s1 =	sadd.s32 $0x20400, s1;
	[dreg:$0x8] =	wrdreg s7  }
0x18: {  	[dreg:$0x9] =	wrdreg s1;
	s7 =	sshrl.u32 s17, $0x3;
	s17 =	simm.s32 $0x1B58  }
0x19: {  	s15 =	simm.s32 $0x1F40;
	[dreg:$0xa] =	wrdreg s7;
	s7 =	simm.s32 $0x3E8  }
0x1a: {  	s1 =	rddreg [dreg:$0x5]  }
0x1b: {  	[spmem:s6], [sflag:s4] =	dma.local [hbm:s1], $0x4F0  }
0x1c: {  	_ =	swait.ge [sflag:s5], $0x4F0  }
0x1d: {  	s12 =	smov.u32 s0;
	s0 =	rddreg [dreg:$0x6];
	[sflag:s5] =	ssyncset.done $0x0  }
0x1e: {  	s1 =	rddreg [dreg:$0xa];
	[sflag:s5] =	ssyncadd.s32 $0xFFFFFB10  }
0x1f: {  	[spmem:s1], [sflag:s4] =	dma.local [hbm:s0], $0x4F0  }
0x20: {  	_ =	swait.ge [sflag:s5], $0x4F0  }
0x21: {  	[sflag:s5] =	ssyncset.done $0x0  }
0x22: {  	s1 =	rddreg [dreg:$0x7];
	[sflag:s5] =	ssyncadd.s32 $0xFFFFFB10  }
0x23: {  	[tilespmem:s18], [sflag:$0x3] =	stream.linear.gather [hbm4b:s1+s18], $0x2710, $0x38;
	[tilespmem:$0x11A20] =	vst v63  }
0x24: {  	_ =	swait.ge [sflag:s5], $0x2710  }
0x25: {  	[sflag:s5] =	ssyncset.done $0x0  }
0x26: {  	s1 =	rddreg [dreg:$0x8];
	[sflag:s5] =	ssyncadd.s32 $0xFFFFD8F0  }
0x27: {  	[tilespmem:s31], [sflag:$0x3] =	stream.linear.gather [hbm4b:s1+s18], $0x2710, $0x38;
	[tilespmem:$0x11A20] =	vst v63  }
0x28: {  	_ =	swait.ge [sflag:s5], $0x2710  }
0x29: {  	[sflag:s5] =	ssyncset.done $0x0  }
0x2a: {  	[sflag:s5] =	ssyncadd.s32 $0xFFFFD8F0  }
0x2b: {  	[bflag:$0x0] =	sbarrier.arrive $0xFFFF  }
0x2c: {  	[tilespmem:s11], [sflag:$0x1] =	stream.indirect.gather [spmem:s3], $0x10, s18, s7, $0xb8;
	[tilespmem:$0x11A20] =	vst v63  }
0x2d: {  	_ =	swait.ge [sflag:s9], $0x3E80  }
0x2e: {  	[sflag:s9] =	ssyncset.done $0x0  }
0x2f: {  	[sflag:s9] =	ssyncadd.s32 $0xFFFFC180  }
0x30: {  	[tilespmem:s10], [sflag:$0x1] =	stream.indirect.gather [spmem:s3], $0x10, s7, s7, $0xb8;
	[tilespmem:$0x11A20] =	vst v63  }
0x31: {  	_ = 	snop  }
0x32: {  	[spmem:s2] =	stream.indirect.scatter.add.f32 [tilespmem:s11], [sflag:$0x2], $0x10, s31, s7, $0xb8;
	[tilespmem:$0x11A20] =	vst v63  }
0x33: {  	_ =	swait.ge [sflag:s8], $0x3E80  }
0x34: {  	[sflag:s8] =	ssyncset.done $0x0  }
0x35: {  	[sflag:s8] =	ssyncadd.s32 $0xFFFFC180  }
0x36: {  	_ =	swait.ge [sflag:s9], $0x3E80  }
0x37: {  	[sflag:s9] =	ssyncset.done $0x0  }
0x38: {  	[sflag:s9] =	ssyncadd.s32 $0xFFFFC180  }
0x39: {  	[tilespmem:s11], [sflag:$0x1] =	stream.indirect.gather [spmem:s3], $0x10, s29, s7, $0xb8;
	[tilespmem:$0x11A20] =	vst v63  }
0x3a: {  	_ = 	snop  }
0x3b: {  	[spmem:s2] =	stream.indirect.scatter.add.f32 [tilespmem:s10], [sflag:$0x2], $0x10, s30, s7, $0xb8;
	[tilespmem:$0x11A20] =	vst v63  }
0x3c: {  	_ =	swait.ge [sflag:s8], $0x3E80  }
0x3d: {  	[sflag:s8] =	ssyncset.done $0x0  }
0x3e: {  	[sflag:s8] =	ssyncadd.s32 $0xFFFFC180  }
0x3f: {  	_ =	swait.ge [sflag:s9], $0x3E80  }
0x40: {  	[sflag:s9] =	ssyncset.done $0x0  }
0x41: {  	[sflag:s9] =	ssyncadd.s32 $0xFFFFC180  }
0x42: {  	[tilespmem:s10], [sflag:$0x1] =	stream.indirect.gather [spmem:s3], $0x10, s26, s7, $0xb8;
	[tilespmem:$0x11A20] =	vst v63  }
0x43: {  	_ = 	snop  }
0x44: {  	[spmem:s2] =	stream.indirect.scatter.add.f32 [tilespmem:s11], [sflag:$0x2], $0x10, s28, s7, $0xb8;
	[tilespmem:$0x11A20] =	vst v63  }
0x45: {  	_ =	swait.ge [sflag:s8], $0x3E80  }
0x46: {  	[sflag:s8] =	ssyncset.done $0x0  }
0x47: {  	[sflag:s8] =	ssyncadd.s32 $0xFFFFC180  }
0x48: {  	_ =	swait.ge [sflag:s9], $0x3E80  }
0x49: {  	[sflag:s9] =	ssyncset.done $0x0  }
0x4a: {  	[sflag:s9] =	ssyncadd.s32 $0xFFFFC180  }
0x4b: {  	[tilespmem:s11], [sflag:$0x1] =	stream.indirect.gather [spmem:s3], $0x10, s24, s7, $0xb8;
	[tilespmem:$0x11A20] =	vst v63  }
0x4c: {  	_ = 	snop  }
0x4d: {  	[spmem:s2] =	stream.indirect.scatter.add.f32 [tilespmem:s10], [sflag:$0x2], $0x10, s25, s7, $0xb8;
	[tilespmem:$0x11A20] =	vst v63  }
0x4e: {  	_ =	swait.ge [sflag:s8], $0x3E80  }
0x4f: {  	[sflag:s8] =	ssyncset.done $0x0  }
0x50: {  	[sflag:s8] =	ssyncadd.s32 $0xFFFFC180  }
0x51: {  	_ =	swait.ge [sflag:s9], $0x3E80  }
0x52: {  	[sflag:s9] =	ssyncset.done $0x0  }
0x53: {  	[sflag:s9] =	ssyncadd.s32 $0xFFFFC180  }
0x54: {  	[tilespmem:s10], [sflag:$0x1] =	stream.indirect.gather [spmem:s3], $0x10, s22, s7, $0xb8;
	[tilespmem:$0x11A20] =	vst v63  }
0x55: {  	_ = 	snop  }
0x56: {  	[spmem:s2] =	stream.indirect.scatter.add.f32 [tilespmem:s11], [sflag:$0x2], $0x10, s23, s7, $0xb8;
	[tilespmem:$0x11A20] =	vst v63  }
0x57: {  	_ =	swait.ge [sflag:s8], $0x3E80  }
0x58: {  	[sflag:s8] =	ssyncset.done $0x0  }
0x59: {  	[sflag:s8] =	ssyncadd.s32 $0xFFFFC180  }
0x5a: {  	_ =	swait.ge [sflag:s9], $0x3E80  }
0x5b: {  	[sflag:s9] =	ssyncset.done $0x0  }
0x5c: {  	[sflag:s9] =	ssyncadd.s32 $0xFFFFC180  }
0x5d: {  	[tilespmem:s11], [sflag:$0x1] =	stream.indirect.gather [spmem:s3], $0x10, s20, s7, $0xb8;
	[tilespmem:$0x11A20] =	vst v63  }
0x5e: {  	_ = 	snop  }
0x5f: {  	[spmem:s2] =	stream.indirect.scatter.add.f32 [tilespmem:s10], [sflag:$0x2], $0x10, s21, s7, $0xb8;
	[tilespmem:$0x11A20] =	vst v63  }
0x60: {  	_ =	swait.ge [sflag:s8], $0x3E80  }
0x61: {  	[sflag:s8] =	ssyncset.done $0x0  }
0x62: {  	[sflag:s8] =	ssyncadd.s32 $0xFFFFC180  }
0x63: {  	_ =	swait.ge [sflag:s9], $0x3E80  }
0x64: {  	[sflag:s9] =	ssyncset.done $0x0  }
0x65: {  	[sflag:s9] =	ssyncadd.s32 $0xFFFFC180  }
0x66: {  	[tilespmem:s10], [sflag:$0x1] =	stream.indirect.gather [spmem:s3], $0x10, s17, s7, $0xb8;
	[tilespmem:$0x11A20] =	vst v63  }
0x67: {  	_ = 	snop  }
0x68: {  	[spmem:s2] =	stream.indirect.scatter.add.f32 [tilespmem:s11], [sflag:$0x2], $0x10, s19, s7, $0xb8;
	[tilespmem:$0x11A20] =	vst v63  }
0x69: {  	_ =	swait.ge [sflag:s8], $0x3E80  }
0x6a: {  	[sflag:s8] =	ssyncset.done $0x0  }
0x6b: {  	[sflag:s8] =	ssyncadd.s32 $0xFFFFC180  }
0x6c: {  	_ =	swait.ge [sflag:s9], $0x3E80  }
0x6d: {  	[sflag:s9] =	ssyncset.done $0x0  }
0x6e: {  	[sflag:s9] =	ssyncadd.s32 $0xFFFFC180  }
0x6f: {  	[tilespmem:s11], [sflag:$0x1] =	stream.indirect.gather [spmem:s3], $0x10, s15, s7, $0xb8;
	[tilespmem:$0x11A20] =	vst v63  }
0x70: {  	_ = 	snop  }
0x71: {  	[spmem:s2] =	stream.indirect.scatter.add.f32 [tilespmem:s10], [sflag:$0x2], $0x10, s16, s7, $0xb8;
	[tilespmem:$0x11A20] =	vst v63  }
0x72: {  	_ =	swait.ge [sflag:s8], $0x3E80  }
0x73: {  	[sflag:s8] =	ssyncset.done $0x0  }
0x74: {  	[sflag:s8] =	ssyncadd.s32 $0xFFFFC180  }
0x75: {  	_ =	swait.ge [sflag:s9], $0x3E80  }
0x76: {  	[sflag:s9] =	ssyncset.done $0x0  }
0x77: {  	[sflag:s9] =	ssyncadd.s32 $0xFFFFC180  }
0x78: {  	[tilespmem:s10], [sflag:$0x1] =	stream.indirect.gather [spmem:s3], $0x10, s13, s7, $0xb8;
	[tilespmem:$0x11A20] =	vst v63  }
0x79: {  	_ = 	snop  }
0x7a: {  	[spmem:s2] =	stream.indirect.scatter.add.f32 [tilespmem:s11], [sflag:$0x2], $0x10, s14, s7, $0xb8;
	[tilespmem:$0x11A20] =	vst v63  }
0x7b: {  	_ =	swait.ge [sflag:s8], $0x3E80  }
0x7c: {  	[sflag:s8] =	ssyncset.done $0x0  }
0x7d: {  	[sflag:s8] =	ssyncadd.s32 $0xFFFFC180  }
0x7e: {  	_ =	swait.ge [sflag:s9], $0x3E80  }
0x7f: {  	[sflag:s9] =	ssyncset.done $0x0  }
0x80: {  	s1 =	simm.s32 $0x4A38;
	[sflag:s9] =	ssyncadd.s32 $0xFFFFC180  }
0x81: {  	[spmem:s2] =	stream.indirect.scatter.add.f32 [tilespmem:s10], [sflag:$0x2], $0x10, s1, s7, $0xb8;
	[tilespmem:$0x11A20] =	vst v63  }
0x82: {  	_ =	swait.ge [sflag:s8], $0x3E80  }
0x83: {  	p1 =	sne.s32 s12, $0x1;
	[sflag:s8] =	ssyncset.done $0x0  }
.Ltmp1:
0x84: {  	[sflag:s8] =	ssyncadd.s32 $0xFFFFC180;
	(pc) =	sbr.rel @!p1 .LBB2_2-.Ltmp1, $4  }
0x85: {  	[bflag:$0x0] =	sbarrier.arrive $0xFFFF  }
0x86: {  	s1 =	rddreg [dreg:$0x9]  }
0x87: {  	[hbm:s1], [sflag:s4] =	dma.local [spmem:s6], $0x4F0  }
0x88: {  	p0 =	por $0x1, $0x1;
	s1 =	sadd.s32 $0xFFFFFFFF, s12;
	_ =	swait.ge [sflag:s5], $0x4F0  }
.LBB2_3:
0x89: {  	[sflag:s5] =	ssyncset.done $0x0  }
0x8a: {  	s0 =	rddreg [dreg:$0x5];
	[sflag:s5] =	ssyncadd.s32 $0xFFFFFB10  }
0x8b: {  	[spmem:s6], [sflag:s4] =	dma.local [hbm:s0], $0x4F0  }
0x8c: {  	_ =	swait.ge [sflag:s5], $0x4F0  }
0x8d: {  	[sflag:s5] =	ssyncset.done $0x0;
	s0 =	rddreg [dreg:$0x6]  }
0x8e: {  	s12 =	rddreg [dreg:$0xa];
	[sflag:s5] =	ssyncadd.s32 $0xFFFFFB10  }
0x8f: {  	[spmem:s12], [sflag:s4] =	dma.local [hbm:s0], $0x4F0  }
0x90: {  	_ =	swait.ge [sflag:s5], $0x4F0  }
0x91: {  	[sflag:s5] =	ssyncset.done $0x0  }
0x92: {  	s12 =	rddreg [dreg:$0x7];
	[sflag:s5] =	ssyncadd.s32 $0xFFFFFB10  }
0x93: {  	[tilespmem:s18], [sflag:$0x3] =	stream.linear.gather [hbm4b:s12+s18], $0x2710, $0x38;
	[tilespmem:$0x11A20] =	vst v63  }
0x94: {  	_ =	swait.ge [sflag:s5], $0x2710  }
0x95: {  	[sflag:s5] =	ssyncset.done $0x0  }
0x96: {  	s12 =	rddreg [dreg:$0x8];
	[sflag:s5] =	ssyncadd.s32 $0xFFFFD8F0  }
0x97: {  	[tilespmem:s31], [sflag:$0x3] =	stream.linear.gather [hbm4b:s12+s18], $0x2710, $0x38;
	[tilespmem:$0x11A20] =	vst v63  }
0x98: {  	_ =	swait.ge [sflag:s5], $0x2710  }
0x99: {  	[sflag:s5] =	ssyncset.done $0x0  }
0x9a: {  	[sflag:s5] =	ssyncadd.s32 $0xFFFFD8F0  }
0x9b: {  	[bflag:$0x0] =	sbarrier.arrive $0xFFFF  }
0x9c: {  	[tilespmem:s11], [sflag:$0x1] =	stream.indirect.gather [spmem:s3], $0x10, s18, s7, $0xb8;
	[tilespmem:$0x11A20] =	vst v63  }
0x9d: {  	_ =	swait.ge [sflag:s9], $0x3E80  }
0x9e: {  	[sflag:s9] =	ssyncset.done $0x0  }
0x9f: {  	[sflag:s9] =	ssyncadd.s32 $0xFFFFC180  }
0xa0: {  	[tilespmem:s10], [sflag:$0x1] =	stream.indirect.gather [spmem:s3], $0x10, s7, s7, $0xb8;
	[tilespmem:$0x11A20] =	vst v63  }
0xa1: {  	_ = 	snop  }
0xa2: {  	[spmem:s2] =	stream.indirect.scatter.add.f32 [tilespmem:s11], [sflag:$0x2], $0x10, s31, s7, $0xb8;
	[tilespmem:$0x11A20] =	vst v63  }
0xa3: {  	_ =	swait.ge [sflag:s8], $0x3E80  }
0xa4: {  	[sflag:s8] =	ssyncset.done $0x0  }
0xa5: {  	[sflag:s8] =	ssyncadd.s32 $0xFFFFC180  }
0xa6: {  	_ =	swait.ge [sflag:s9], $0x3E80  }
0xa7: {  	[sflag:s9] =	ssyncset.done $0x0  }
0xa8: {  	[sflag:s9] =	ssyncadd.s32 $0xFFFFC180  }
0xa9: {  	[tilespmem:s11], [sflag:$0x1] =	stream.indirect.gather [spmem:s3], $0x10, s29, s7, $0xb8;
	[tilespmem:$0x11A20] =	vst v63  }
0xaa: {  	_ = 	snop  }
0xab: {  	[spmem:s2] =	stream.indirect.scatter.add.f32 [tilespmem:s10], [sflag:$0x2], $0x10, s30, s7, $0xb8;
	[tilespmem:$0x11A20] =	vst v63  }
0xac: {  	_ =	swait.ge [sflag:s8], $0x3E80  }
0xad: {  	[sflag:s8] =	ssyncset.done $0x0  }
0xae: {  	[sflag:s8] =	ssyncadd.s32 $0xFFFFC180  }
0xaf: {  	_ =	swait.ge [sflag:s9], $0x3E80  }
0xb0: {  	[sflag:s9] =	ssyncset.done $0x0  }
0xb1: {  	[sflag:s9] =	ssyncadd.s32 $0xFFFFC180  }
0xb2: {  	[tilespmem:s10], [sflag:$0x1] =	stream.indirect.gather [spmem:s3], $0x10, s26, s7, $0xb8;
	[tilespmem:$0x11A20] =	vst v63  }
0xb3: {  	_ = 	snop  }
0xb4: {  	[spmem:s2] =	stream.indirect.scatter.add.f32 [tilespmem:s11], [sflag:$0x2], $0x10, s28, s7, $0xb8;
	[tilespmem:$0x11A20] =	vst v63  }
0xb5: {  	_ =	swait.ge [sflag:s8], $0x3E80  }
0xb6: {  	[sflag:s8] =	ssyncset.done $0x0  }
0xb7: {  	[sflag:s8] =	ssyncadd.s32 $0xFFFFC180  }
0xb8: {  	_ =	swait.ge [sflag:s9], $0x3E80  }
0xb9: {  	[sflag:s9] =	ssyncset.done $0x0  }
0xba: {  	[sflag:s9] =	ssyncadd.s32 $0xFFFFC180  }
0xbb: {  	[tilespmem:s11], [sflag:$0x1] =	stream.indirect.gather [spmem:s3], $0x10, s24, s7, $0xb8;
	[tilespmem:$0x11A20] =	vst v63  }
0xbc: {  	_ = 	snop  }
0xbd: {  	[spmem:s2] =	stream.indirect.scatter.add.f32 [tilespmem:s10], [sflag:$0x2], $0x10, s25, s7, $0xb8;
	[tilespmem:$0x11A20] =	vst v63  }
0xbe: {  	_ =	swait.ge [sflag:s8], $0x3E80  }
0xbf: {  	[sflag:s8] =	ssyncset.done $0x0  }
0xc0: {  	[sflag:s8] =	ssyncadd.s32 $0xFFFFC180  }
0xc1: {  	_ =	swait.ge [sflag:s9], $0x3E80  }
0xc2: {  	[sflag:s9] =	ssyncset.done $0x0  }
0xc3: {  	[sflag:s9] =	ssyncadd.s32 $0xFFFFC180  }
0xc4: {  	[tilespmem:s10], [sflag:$0x1] =	stream.indirect.gather [spmem:s3], $0x10, s22, s7, $0xb8;
	[tilespmem:$0x11A20] =	vst v63  }
0xc5: {  	_ = 	snop  }
0xc6: {  	[spmem:s2] =	stream.indirect.scatter.add.f32 [tilespmem:s11], [sflag:$0x2], $0x10, s23, s7, $0xb8;
	[tilespmem:$0x11A20] =	vst v63  }
0xc7: {  	_ =	swait.ge [sflag:s8], $0x3E80  }
0xc8: {  	[sflag:s8] =	ssyncset.done $0x0  }
0xc9: {  	[sflag:s8] =	ssyncadd.s32 $0xFFFFC180  }
0xca: {  	_ =	swait.ge [sflag:s9], $0x3E80  }
0xcb: {  	[sflag:s9] =	ssyncset.done $0x0  }
0xcc: {  	[sflag:s9] =	ssyncadd.s32 $0xFFFFC180  }
0xcd: {  	[tilespmem:s11], [sflag:$0x1] =	stream.indirect.gather [spmem:s3], $0x10, s20, s7, $0xb8;
	[tilespmem:$0x11A20] =	vst v63  }
0xce: {  	_ = 	snop  }
0xcf: {  	[spmem:s2] =	stream.indirect.scatter.add.f32 [tilespmem:s10], [sflag:$0x2], $0x10, s21, s7, $0xb8;
	[tilespmem:$0x11A20] =	vst v63  }
0xd0: {  	_ =	swait.ge [sflag:s8], $0x3E80  }
0xd1: {  	[sflag:s8] =	ssyncset.done $0x0  }
0xd2: {  	[sflag:s8] =	ssyncadd.s32 $0xFFFFC180  }
0xd3: {  	_ =	swait.ge [sflag:s9], $0x3E80  }
0xd4: {  	[sflag:s9] =	ssyncset.done $0x0  }
0xd5: {  	[sflag:s9] =	ssyncadd.s32 $0xFFFFC180  }
0xd6: {  	[tilespmem:s10], [sflag:$0x1] =	stream.indirect.gather [spmem:s3], $0x10, s17, s7, $0xb8;
	[tilespmem:$0x11A20] =	vst v63  }
0xd7: {  	_ = 	snop  }
0xd8: {  	[spmem:s2] =	stream.indirect.scatter.add.f32 [tilespmem:s11], [sflag:$0x2], $0x10, s19, s7, $0xb8;
	[tilespmem:$0x11A20] =	vst v63  }
0xd9: {  	_ =	swait.ge [sflag:s8], $0x3E80  }
0xda: {  	[sflag:s8] =	ssyncset.done $0x0  }
0xdb: {  	[sflag:s8] =	ssyncadd.s32 $0xFFFFC180  }
0xdc: {  	_ =	swait.ge [sflag:s9], $0x3E80  }
0xdd: {  	[sflag:s9] =	ssyncset.done $0x0  }
0xde: {  	[sflag:s9] =	ssyncadd.s32 $0xFFFFC180  }
0xdf: {  	[tilespmem:s11], [sflag:$0x1] =	stream.indirect.gather [spmem:s3], $0x10, s15, s7, $0xb8;
	[tilespmem:$0x11A20] =	vst v63  }
0xe0: {  	_ = 	snop  }
0xe1: {  	[spmem:s2] =	stream.indirect.scatter.add.f32 [tilespmem:s10], [sflag:$0x2], $0x10, s16, s7, $0xb8;
	[tilespmem:$0x11A20] =	vst v63  }
0xe2: {  	_ =	swait.ge [sflag:s8], $0x3E80  }
0xe3: {  	[sflag:s8] =	ssyncset.done $0x0  }
0xe4: {  	[sflag:s8] =	ssyncadd.s32 $0xFFFFC180  }
0xe5: {  	_ =	swait.ge [sflag:s9], $0x3E80  }
0xe6: {  	[sflag:s9] =	ssyncset.done $0x0  }
0xe7: {  	[sflag:s9] =	ssyncadd.s32 $0xFFFFC180  }
0xe8: {  	[tilespmem:s10], [sflag:$0x1] =	stream.indirect.gather [spmem:s3], $0x10, s13, s7, $0xb8;
	[tilespmem:$0x11A20] =	vst v63  }
0xe9: {  	_ = 	snop  }
0xea: {  	[spmem:s2] =	stream.indirect.scatter.add.f32 [tilespmem:s11], [sflag:$0x2], $0x10, s14, s7, $0xb8;
	[tilespmem:$0x11A20] =	vst v63  }
0xeb: {  	_ =	swait.ge [sflag:s8], $0x3E80  }
0xec: {  	[sflag:s8] =	ssyncset.done $0x0  }
0xed: {  	[sflag:s8] =	ssyncadd.s32 $0xFFFFC180  }
0xee: {  	_ =	swait.ge [sflag:s9], $0x3E80  }
0xef: {  	[sflag:s9] =	ssyncset.done $0x0  }
0xf0: {  	s12 =	simm.s32 $0x4A38;
	[sflag:s9] =	ssyncadd.s32 $0xFFFFC180  }
0xf1: {  	[spmem:s2] =	stream.indirect.scatter.add.f32 [tilespmem:s10], [sflag:$0x2], $0x10, s12, s7, $0xb8;
	[tilespmem:$0x11A20] =	vst v63  }
0xf2: {  	_ =	swait.ge [sflag:s8], $0x3E80  }
0xf3: {  	p1 =	sne.s32 s1, $0x1;
	[sflag:s8] =	ssyncset.done $0x0  }
.Ltmp2:
0xf4: {  	[sflag:s8] =	ssyncadd.s32 $0xFFFFC180;
	(pc) =	sbr.rel @p1 .LBB2_3-.Ltmp2, $4  }
0xf5: {  	[bflag:$0x0] =	sbarrier.arrive $0xFFFF  }
0xf6: {  	s12 =	rddreg [dreg:$0x9]  }
0xf7: {  	[hbm:s12], [sflag:s4] =	dma.local [spmem:s6], $0x4F0  }
0xf8: {  	s1 =	sadd.s32 $0xFFFFFFFF, s1;
	_ =	swait.ge [sflag:s5], $0x4F0  }
0xf9: {  	s12 =	stileid.u32  }
.LBB2_5:
0xfa: {  	[sflag:s5] =	ssyncset.done @p0 $0x0  }
0xfb: {  	s0 =	rddreg [dreg:$0x5];
	[sflag:s5] =	ssyncadd.s32 @p0 $0xFFFFFB10  }
0xfc: {  	[spmem:s6], [sflag:s4] =	dma.local [hbm:s0], $0x4F0  }
0xfd: {  	_ =	swait.ge [sflag:s5], $0x4F0  }
0xfe: {  	s0 =	rddreg [dreg:$0x6];
	[sflag:s5] =	ssyncset.done $0x0  }
0xff: {  	s1 =	rddreg [dreg:$0xa];
	[sflag:s5] =	ssyncadd.s32 $0xFFFFFB10  }
0x100: {  	[spmem:s1], [sflag:s4] =	dma.local [hbm:s0], $0x4F0  }
0x101: {  	_ =	swait.ge [sflag:s5], $0x4F0  }
0x102: {  	[sflag:s5] =	ssyncset.done $0x0  }
0x103: {  	s1 =	rddreg [dreg:$0x7];
	[sflag:s5] =	ssyncadd.s32 $0xFFFFFB10  }
0x104: {  	[tilespmem:s18], [sflag:$0x3] =	stream.linear.gather [hbm4b:s1+s18], $0x2710, $0x38;
	[tilespmem:$0x11A20] =	vst v63  }
0x105: {  	_ =	swait.ge [sflag:s5], $0x2710  }
0x106: {  	[sflag:s5] =	ssyncset.done $0x0  }
0x107: {  	s1 =	rddreg [dreg:$0x8];
	[sflag:s5] =	ssyncadd.s32 $0xFFFFD8F0  }
0x108: {  	[tilespmem:s31], [sflag:$0x3] =	stream.linear.gather [hbm4b:s1+s18], $0x2710, $0x38;
	[tilespmem:$0x11A20] =	vst v63  }
0x109: {  	_ =	swait.ge [sflag:s5], $0x2710  }
0x10a: {  	[sflag:s5] =	ssyncset.done $0x0  }
0x10b: {  	[sflag:s5] =	ssyncadd.s32 $0xFFFFD8F0  }
0x10c: {  	[bflag:$0x0] =	sbarrier.arrive $0xFFFF  }
0x10d: {  	[tilespmem:s11], [sflag:$0x1] =	stream.indirect.gather [spmem:s3], $0x10, s18, s7, $0xb8;
	[tilespmem:$0x11A20] =	vst v63  }
0x10e: {  	_ =	swait.ge [sflag:s9], $0x3E80  }
0x10f: {  	[sflag:s9] =	ssyncset.done $0x0  }
0x110: {  	[sflag:s9] =	ssyncadd.s32 $0xFFFFC180  }
0x111: {  	[tilespmem:s10], [sflag:$0x1] =	stream.indirect.gather [spmem:s3], $0x10, s7, s7, $0xb8;
	[tilespmem:$0x11A20] =	vst v63  }
0x112: {  	_ = 	snop  }
0x113: {  	[spmem:s2] =	stream.indirect.scatter.add.f32 [tilespmem:s11], [sflag:$0x2], $0x10, s31, s7, $0xb8;
	[tilespmem:$0x11A20] =	vst v63  }
0x114: {  	_ =	swait.ge [sflag:s8], $0x3E80  }
0x115: {  	[sflag:s8] =	ssyncset.done $0x0  }
0x116: {  	[sflag:s8] =	ssyncadd.s32 $0xFFFFC180  }
0x117: {  	_ =	swait.ge [sflag:s9], $0x3E80  }
0x118: {  	[sflag:s9] =	ssyncset.done $0x0  }
0x119: {  	[sflag:s9] =	ssyncadd.s32 $0xFFFFC180  }
0x11a: {  	[tilespmem:s11], [sflag:$0x1] =	stream.indirect.gather [spmem:s3], $0x10, s29, s7, $0xb8;
	[tilespmem:$0x11A20] =	vst v63  }
0x11b: {  	_ = 	snop  }
0x11c: {  	[spmem:s2] =	stream.indirect.scatter.add.f32 [tilespmem:s10], [sflag:$0x2], $0x10, s30, s7, $0xb8;
	[tilespmem:$0x11A20] =	vst v63  }
0x11d: {  	_ =	swait.ge [sflag:s8], $0x3E80  }
0x11e: {  	[sflag:s8] =	ssyncset.done $0x0  }
0x11f: {  	[sflag:s8] =	ssyncadd.s32 $0xFFFFC180  }
0x120: {  	_ =	swait.ge [sflag:s9], $0x3E80  }
0x121: {  	[sflag:s9] =	ssyncset.done $0x0  }
0x122: {  	[sflag:s9] =	ssyncadd.s32 $0xFFFFC180  }
0x123: {  	[tilespmem:s10], [sflag:$0x1] =	stream.indirect.gather [spmem:s3], $0x10, s26, s7, $0xb8;
	[tilespmem:$0x11A20] =	vst v63  }
0x124: {  	_ = 	snop  }
0x125: {  	[spmem:s2] =	stream.indirect.scatter.add.f32 [tilespmem:s11], [sflag:$0x2], $0x10, s28, s7, $0xb8;
	[tilespmem:$0x11A20] =	vst v63  }
0x126: {  	_ =	swait.ge [sflag:s8], $0x3E80  }
0x127: {  	[sflag:s8] =	ssyncset.done $0x0  }
0x128: {  	[sflag:s8] =	ssyncadd.s32 $0xFFFFC180  }
0x129: {  	_ =	swait.ge [sflag:s9], $0x3E80  }
0x12a: {  	[sflag:s9] =	ssyncset.done $0x0  }
0x12b: {  	[sflag:s9] =	ssyncadd.s32 $0xFFFFC180  }
0x12c: {  	[tilespmem:s11], [sflag:$0x1] =	stream.indirect.gather [spmem:s3], $0x10, s24, s7, $0xb8;
	[tilespmem:$0x11A20] =	vst v63  }
0x12d: {  	_ = 	snop  }
0x12e: {  	[spmem:s2] =	stream.indirect.scatter.add.f32 [tilespmem:s10], [sflag:$0x2], $0x10, s25, s7, $0xb8;
	[tilespmem:$0x11A20] =	vst v63  }
0x12f: {  	_ =	swait.ge [sflag:s8], $0x3E80  }
0x130: {  	[sflag:s8] =	ssyncset.done $0x0  }
0x131: {  	[sflag:s8] =	ssyncadd.s32 $0xFFFFC180  }
0x132: {  	_ =	swait.ge [sflag:s9], $0x3E80  }
0x133: {  	[sflag:s9] =	ssyncset.done $0x0  }
0x134: {  	[sflag:s9] =	ssyncadd.s32 $0xFFFFC180  }
0x135: {  	[tilespmem:s10], [sflag:$0x1] =	stream.indirect.gather [spmem:s3], $0x10, s22, s7, $0xb8;
	[tilespmem:$0x11A20] =	vst v63  }
0x136: {  	_ = 	snop  }
0x137: {  	[spmem:s2] =	stream.indirect.scatter.add.f32 [tilespmem:s11], [sflag:$0x2], $0x10, s23, s7, $0xb8;
	[tilespmem:$0x11A20] =	vst v63  }
0x138: {  	_ =	swait.ge [sflag:s8], $0x3E80  }
0x139: {  	[sflag:s8] =	ssyncset.done $0x0  }
0x13a: {  	[sflag:s8] =	ssyncadd.s32 $0xFFFFC180  }
0x13b: {  	_ =	swait.ge [sflag:s9], $0x3E80  }
0x13c: {  	[sflag:s9] =	ssyncset.done $0x0  }
0x13d: {  	[sflag:s9] =	ssyncadd.s32 $0xFFFFC180  }
0x13e: {  	[tilespmem:s11], [sflag:$0x1] =	stream.indirect.gather [spmem:s3], $0x10, s20, s7, $0xb8;
	[tilespmem:$0x11A20] =	vst v63  }
0x13f: {  	_ = 	snop  }
0x140: {  	[spmem:s2] =	stream.indirect.scatter.add.f32 [tilespmem:s10], [sflag:$0x2], $0x10, s21, s7, $0xb8;
	[tilespmem:$0x11A20] =	vst v63  }
0x141: {  	_ =	swait.ge [sflag:s8], $0x3E80  }
0x142: {  	[sflag:s8] =	ssyncset.done $0x0  }
0x143: {  	[sflag:s8] =	ssyncadd.s32 $0xFFFFC180  }
0x144: {  	_ =	swait.ge [sflag:s9], $0x3E80  }
0x145: {  	[sflag:s9] =	ssyncset.done $0x0  }
0x146: {  	[sflag:s9] =	ssyncadd.s32 $0xFFFFC180  }
0x147: {  	[tilespmem:s10], [sflag:$0x1] =	stream.indirect.gather [spmem:s3], $0x10, s17, s7, $0xb8;
	[tilespmem:$0x11A20] =	vst v63  }
0x148: {  	_ = 	snop  }
0x149: {  	[spmem:s2] =	stream.indirect.scatter.add.f32 [tilespmem:s11], [sflag:$0x2], $0x10, s19, s7, $0xb8;
	[tilespmem:$0x11A20] =	vst v63  }
0x14a: {  	_ =	swait.ge [sflag:s8], $0x3E80  }
0x14b: {  	[sflag:s8] =	ssyncset.done $0x0  }
0x14c: {  	[sflag:s8] =	ssyncadd.s32 $0xFFFFC180  }
0x14d: {  	_ =	swait.ge [sflag:s9], $0x3E80  }
0x14e: {  	[sflag:s9] =	ssyncset.done $0x0  }
0x14f: {  	[sflag:s9] =	ssyncadd.s32 $0xFFFFC180  }
0x150: {  	[tilespmem:s11], [sflag:$0x1] =	stream.indirect.gather [spmem:s3], $0x10, s15, s7, $0xb8;
	[tilespmem:$0x11A20] =	vst v63  }
0x151: {  	_ = 	snop  }
0x152: {  	[spmem:s2] =	stream.indirect.scatter.add.f32 [tilespmem:s10], [sflag:$0x2], $0x10, s16, s7, $0xb8;
	[tilespmem:$0x11A20] =	vst v63  }
0x153: {  	_ =	swait.ge [sflag:s8], $0x3E80  }
0x154: {  	[sflag:s8] =	ssyncset.done $0x0  }
0x155: {  	[sflag:s8] =	ssyncadd.s32 $0xFFFFC180  }
0x156: {  	_ =	swait.ge [sflag:s9], $0x3E80  }
0x157: {  	[sflag:s9] =	ssyncset.done $0x0  }
0x158: {  	[sflag:s9] =	ssyncadd.s32 $0xFFFFC180  }
0x159: {  	[tilespmem:s10], [sflag:$0x1] =	stream.indirect.gather [spmem:s3], $0x10, s13, s7, $0xb8;
	[tilespmem:$0x11A20] =	vst v63  }
0x15a: {  	_ = 	snop  }
0x15b: {  	[spmem:s2] =	stream.indirect.scatter.add.f32 [tilespmem:s11], [sflag:$0x2], $0x10, s14, s7, $0xb8;
	[tilespmem:$0x11A20] =	vst v63  }
0x15c: {  	_ =	swait.ge [sflag:s8], $0x3E80  }
0x15d: {  	[sflag:s8] =	ssyncset.done $0x0  }
0x15e: {  	[sflag:s8] =	ssyncadd.s32 $0xFFFFC180  }
0x15f: {  	_ =	swait.ge [sflag:s9], $0x3E80  }
0x160: {  	[sflag:s9] =	ssyncset.done $0x0  }
0x161: {  	s30 =	simm.s32 $0x4A38;
	[sflag:s9] =	ssyncadd.s32 $0xFFFFC180  }
0x162: {  	[spmem:s2] =	stream.indirect.scatter.add.f32 [tilespmem:s10], [sflag:$0x2], $0x10, s30, s7, $0xb8;
	[tilespmem:$0x11A20] =	vst v63  }
0x163: {  	_ =	swait.ge [sflag:s8], $0x3E80  }
0x164: {  	[sflag:s8] =	ssyncset.done $0x0  }
0x165: {  	[sflag:s8] =	ssyncadd.s32 $0xFFFFC180  }
0x166: {  	[bflag:$0x0] =	sbarrier.arrive $0xFFFF  }
0x167: {  	s31 =	rddreg [dreg:$0x9]  }
0x168: {  	[hbm:s31], [sflag:s4] =	dma.local [spmem:s6], $0x4F0  }
0x169: {  	_ =	swait.ge [sflag:s5], $0x4F0  }
0x16a: {  	[sflag:s5] =	ssyncset.done $0x0  }
0x16b: {  	[sflag:s5] =	ssyncadd.s32 $0xFFFFFB10  }
0x16c: {  	_ =	sfence.sel $0x180000  }
0x16d: {  	[bflag:$0x0] =	sbarrier.arrive $0xFFFF  }
0x16e: {  	_ =	strace $0x9000004A  }
0x16f: {  	[bflag:$0x2] =	sbarrier.arrive $0xFFFF  }
0x170: {  	p0 =	sne.s32 s12, $0x0;
	s0 =	rddreg [dreg:$0x4]  }
0x171: {  	s0 =	sadd.s32 @!p0 $0x100000, s0  }
0x172: {  	[sflag:s0] =	ssyncadd.tile.s32 @!p0 $0x1;
	_ =	shalt  }
.LBB2_2:
.Ltmp3:
0x173: {  	(pc) =	sbr.rel .LBB2_5-.Ltmp3, $2  }
0x174: {  	_ =	sdelay $0x2  }
0x175: {  	s12 =	stileid.u32  }
.Lfunc_end2:
_tile_overlayer_lowered:
.L_overlay_start_2:
0x176: {  	(tag) =	ssettag $0x2  }
0x177: {  	s0 =	rddreg [dreg:$0x0];
	s2 =	stileid.u32  }
0x178: {  	s1 =	rddreg [dreg:$0x1];
	p0 =	sne.s32 s2, $0x0  }
0x179: {  	s3 =	rddreg [dreg:$0x2];
	[bflag:$0x3] =	sbarrier.arrive $0xFFFF;
	s2 =	simm.s32 @!p0 $0x1C03  }
0x17a: {  	[timem:s3], [sflag:s2] =	dma.local @!p0 [hbm:s0], s1  }
0x17b: {  	s0 =	simm.s32 @!p0 $0x3  }
0x17c: {  	_ =	swait.ge @!p0 [sflag:s0], s1  }
0x17d: {  	s1 =	ssub.s32 @!p0 $0x0, s1;
	[sflag:s0] =	ssyncset.done @!p0 $0x0  }
0x17e: {  	[sflag:s0] =	ssyncadd.s32 @!p0 s1  }
0x17f: {  	[bflag:$0x3] =	sbarrier.arrive $0xFFFF  }
0x180: {  	_ =	shalt  }

// kernel: kernel.15.cloned.1.call-start
scs
__scs_entry_jumppad:
0x0: {  	(pc) =	sbr.rel $0x88, $3  }
0x1: {  	(tag) =	ssettag $0x0;
	lr =	simm.s32 $0x1  }
0x2: {  	[smem:$0x3F9B] =	sst lr;
	_ =	strace $0xD0000000  }
0x3: {  	_ = 	snop  }
0x4: {  	_ = 	snop  }
0x5: {  	_ = 	snop  }
0x6: {  	_ = 	snop  }
0x7: {  	_ = 	snop  }
__scs_overlays_trampoline_lowered:
0x8: {  	[smem:$0x3FAA] =	sst s0  }
0x9: {  	[smem:$0x3FAB] =	sst s1  }
0xa: {  	[smem:$0x3FAC] =	sst s2  }
0xb: {  	[smem:$0x3FAD] =	sst s3  }
0xc: {  	[smem:$0x3FAE] =	sst s4  }
0xd: {  	[smem:$0x3FAF] =	sst s5  }
0xe: {  	[smem:$0x3FB0] =	sst s6  }
0xf: {  	[smem:$0x3FB1] =	sst s7  }
0x10: {  	[smem:$0x3FB2] =	sst s8  }
0x11: {  	[smem:$0x3FB3] =	sst s9;
	s0 =	simm.s32 @!p0 $0x0  }
0x12: {  	s1 =	sld [smem:$0x3F99];
	s0 =	simm.s32 @p0 $0x1  }
0x13: {  	[smem:$0x3FB4] =	sst s0;
	s0 =	simm.s32 @!p1 $0x0  }
0x14: {  	s2 =	sld [smem:$0x3F98];
	s0 =	simm.s32 @p1 $0x1  }
0x15: {  	[smem:$0x3FB5] =	sst s0;
	s0 =	simm.s32 @!p2 $0x0  }
0x16: {  	s3 =	sld [smem:$0x3FDB];
	s0 =	simm.s32 @p2 $0x1  }
0x17: {  	s4 =	simm.s32 $0x1BF5;
	[smem:$0x3FB7] =	sst s0  }
0x18: {  	s0 =	sld [smem:$0x3F9A];
	_ =	swait.ge [sflag:s4], $0x0  }
0x19: {  	s7 =	sld [smem:$0x3F9B]  }
0x1a: {  	s8 =	sadd.s32 $0xFFFFE003, lr  }
0x1b: {  	s9 =	sadd.s32 $0xFFFFFEF7, lr;
	s5 =	simm.s32 $0xFFFFFFFF;
	p2 =	slt.u32 s8, $0xFFFFF086  }
0x1c: {  	p1 =	slt.u32 s9, $0xF7A;
	s5 =	simm.s32 @!p2 $0x0  }
0x1d: {  	s5 =	simm.s32 @p1 $0x1;
	p0 =	seq.s32 s7, s2  }
0x1e: {  	s7 =	smul.u32 @!p0 $0xF7A, s2;
	p2 =	seq.s32 @!p0 s5, $0x0  }
0x1f: {  	s9 =	smul.u32 $0xF7A, s1;
	s8 =	simm.s32 @!p0 $0x1BF5;
	p2 =	por !p2, p0  }
0x20: {  	[sflag:s8] =	ssyncset.s32 @!p0 $0xFFFFF086;
	s6 =	sadd.s32 @!p0 s3, s7;
	s7 =	simm.s32 @!p0 $0x108  }
0x21: {  	s3 =	sadd.s32 s3, s9;
	s6 =	sadd.s32 @!p0 $0x88, s6;
	s7 =	simm.s32 @p2 $0x1082  }
0x22: {  	[simem:s7], [sflag:s8] =	dma.local @!p0 [hbm:s6], $0xF7A  }
0x23: {  	s9 =	sor.u32 $0xD0000000, s2;
	s6 =	simm.s32 $0x108;
	_ =	swait.ge @!p0 [sflag:s8], $0x0  }
0x24: {  	s3 =	sadd.s32 $0x88, s3;
	s6 =	simm.s32 @!p1 $0x1082;
	[sflag:s4] =	ssyncset.s32 $0xFFFFF086  }
0x25: {  	[simem:s6], [sflag:s4] =	dma.local [hbm:s3], $0xF7A  }
0x26: {  	[smem:$0x3F9B] =	sst s1;
	(tag) =	ssettag s2;
	_ =	strace s9  }
0x27: {  	s1 =	sld [smem:$0x3FAB]  }
0x28: {  	s2 =	sld [smem:$0x3FAC]  }
0x29: {  	s4 =	sld [smem:$0x3FAE]  }
0x2a: {  	p0 =	seq.s32 s5, $0x0;
	s5 =	sld [smem:$0x3FAF]  }
0x2b: {  	s6 =	sld [smem:$0x3FB0]  }
0x2c: {  	s7 =	sld [smem:$0x3FB1]  }
0x2d: {  	s3 =	simm.s32 $0x108;
	s8 =	sld [smem:$0x3FB2]  }
0x2e: {  	s3 =	simm.s32 @!p0 $0x1082;
	s9 =	sld [smem:$0x3FB3]  }
0x2f: {  	lr =	sadd.s32 s0, s3;
	s0 =	sld [smem:$0x3FAA]  }
0x30: {  	s3 =	sld [smem:$0x3FAD]  }
0x31: {  	[smem:$0x3FB6] =	sst s10  }
0x32: {  	s10 =	sld [smem:$0x3FB4];
	_ =	sdelay $0x3  }
0x33: {  	p0 =	seq.s32 s10, $0x1;
	s10 =	sld [smem:$0x3FB6];
	_ =	sdelay $0x3  }
0x34: {  	[smem:$0x3FB6] =	sst s10  }
0x35: {  	s10 =	sld [smem:$0x3FB5];
	_ =	sdelay $0x3  }
0x36: {  	p1 =	seq.s32 s10, $0x1;
	s10 =	sld [smem:$0x3FB6];
	_ =	sdelay $0x3  }
0x37: {  	[smem:$0x3FB6] =	sst s10  }
0x38: {  	s10 =	sld [smem:$0x3FB7]  }
0x39: {  	_ = 	snop;
	(pc) =	sbr.ind lr, $3  }
0x3a: {  	_ = 	snop  }
0x3b: {  	_ = 	snop  }
0x3c: {  	p2 =	seq.s32 s10, $0x1;
	s10 =	sld [smem:$0x3FB6]  }
0x3d: {  	_ =	shalt  }
0x3e: {  	_ =	shalt  }
0x3f: {  	_ =	shalt  }
0x40: {  	_ =	shalt  }
0x41: {  	_ =	shalt  }
0x42: {  	_ =	shalt  }
0x43: {  	_ =	shalt  }
0x44: {  	_ =	shalt  }
0x45: {  	_ =	shalt  }
0x46: {  	_ =	shalt  }
0x47: {  	_ =	shalt  }
0x48: {  	_ =	shalt  }
0x49: {  	_ =	shalt  }
0x4a: {  	_ =	shalt  }
0x4b: {  	_ =	shalt  }
0x4c: {  	_ =	shalt  }
0x4d: {  	_ =	shalt  }
0x4e: {  	_ =	shalt  }
0x4f: {  	_ =	shalt  }
0x50: {  	_ =	shalt  }
0x51: {  	_ =	shalt  }
0x52: {  	_ =	shalt  }
0x53: {  	_ =	shalt  }
0x54: {  	_ =	shalt  }
0x55: {  	_ =	shalt  }
0x56: {  	_ =	shalt  }
0x57: {  	_ =	shalt  }
0x58: {  	_ =	shalt  }
0x59: {  	_ =	shalt  }
0x5a: {  	_ =	shalt  }
0x5b: {  	_ =	shalt  }
0x5c: {  	_ =	shalt  }
0x5d: {  	_ =	shalt  }
0x5e: {  	_ =	shalt  }
0x5f: {  	_ =	shalt  }
0x60: {  	_ =	shalt  }
0x61: {  	_ =	shalt  }
0x62: {  	_ =	shalt  }
0x63: {  	_ =	shalt  }
0x64: {  	_ =	shalt  }
0x65: {  	_ =	shalt  }
0x66: {  	_ =	shalt  }
0x67: {  	_ =	shalt  }
0x68: {  	_ =	shalt  }
0x69: {  	_ =	shalt  }
0x6a: {  	_ =	shalt  }
0x6b: {  	_ =	shalt  }
0x6c: {  	_ =	shalt  }
0x6d: {  	_ =	shalt  }
0x6e: {  	_ =	shalt  }
0x6f: {  	_ =	shalt  }
0x70: {  	_ =	shalt  }
0x71: {  	_ =	shalt  }
0x72: {  	_ =	shalt  }
0x73: {  	_ =	shalt  }
0x74: {  	_ =	shalt  }
0x75: {  	_ =	shalt  }
0x76: {  	_ =	shalt  }
0x77: {  	_ =	shalt  }
0x78: {  	_ =	shalt  }
0x79: {  	_ =	shalt  }
0x7a: {  	_ =	shalt  }
0x7b: {  	_ =	shalt  }
0x7c: {  	_ =	shalt  }
0x7d: {  	_ =	shalt  }
0x7e: {  	_ =	shalt  }
0x7f: {  	_ =	shalt  }
0x80: {  	_ =	shalt  }
0x81: {  	_ =	shalt  }
0x82: {  	_ =	shalt  }
0x83: {  	_ =	shalt  }
0x84: {  	_ =	shalt  }
0x85: {  	_ =	shalt  }
0x86: {  	_ =	shalt  }
0x87: {  	_ =	shalt  }
.Lfunc_end0:
.L_simem_size_0:
called_computation.2_lowered:
.L_overlay_start_0:
0x88: {  	s2 =	sld [smem:$0x3FD9]  }
0x89: {  	s3 =	sld [smem:$0x3FFE];
	_ =	sdelay $0x1  }
0x8a: {  	s1 =	srdreg.scid  }
0x8b: {  	s0 =	sand.u32 $0x1, s1  }
0x8c: {  	s17 =	sshll.u32 s0, $0xA;
	s2 =	sadd.s32 s3, s2  }
0x8d: {  	s2 =	sadd.s32 s2, s17  }
0x8e: {  	[smem:$0x3FC2] =	sst s2  }
0x8f: {  	_ = 	snop  }
0x90: {  	s2 =	sld [smem:$0x3FD0];
	(tm) =	ssettm $0x1  }
0x91: {  	s18 =	sld [smem:$0x3FFB];
	_ =	sdelay $0x3  }
0x92: {  	_ =	strace s18  }
0x93: {  	s3 =	sld [smem:$0x3FFC];
	_ =	sdelay $0x3  }
0x94: {  	_ =	strace s3  }
0x95: {  	s3 =	sld [smem:$0x3FFD];
	_ =	sdelay $0x3  }
0x96: {  	_ =	strace s3  }
0x97: {  	_ =	strace $0x8FFFFFFF  }
0x98: {  	s19 =	sld [smem:$0x3FDB];
	_ =	sdelay $0x1  }
0x99: {  	s4 =	simm.s32 $_scs_section_size  }
0x9a: {  	s5 =	simm.s32 $_size__tile_overlayer_lowered;
	s6 =	simm.s32 $_tile_overlayer_lowered  }
0x9b: {  	s22 =	simm.s32 $0x1BFF;
	s21 =	sshll.u32 s6, $0x1;
	s3 =	sadd.s32 s4, s19  }
0x9c: {  	s7 =	simm.s32 $0x0;
	s20 =	sshll.u32 s5, $0x1;
	s5 =	sadd.s32 s21, s3  }
0x9d: {  	[timem:s7], [sflag:s22] =	dma.local [hbm:s5], s20  }
0x9e: {  	_ =	swait.ge [sflag:s22], s20  }
0x9f: {  	s4 =	ssub.s32 $0x0, s20;
	[sflag:s22] =	ssyncset.done $0x0  }
0xa0: {  	[sflag:s22] =	ssyncadd.s32 s4;
	_ =	sdelay $0x1  }
0xa1: {  	s23 =	simm.s32 $0x1B8B  }
0xa2: {  	_ =	swait.ge [sflag:s23], $0x1  }
0xa3: {  	[sflag:s23] =	ssyncset.done $0x0  }
0xa4: {  	s25 =	simm.s32 $0x1B8E;
	s24 =	sld [smem:$0x3FFE];
	[sflag:s23] =	ssyncadd.s32 $0xFFFFFFFF  }
0xa5: {  	s26 =	simm.s32 $execute0_lowered;
	[smem:$0x3FD2] =	sst s25  }
0xa6: {  	s5 =	sshll.u32 s26, $0x1;
	_ =	strace $0x8000004C;
	[dreg:$0x1] =	wrdreg $0xFFFFFFFF  }
0xa7: {  	s28 =	simm.s32 $_size_execute0_lowered;
	s3 =	sadd.s32 s3, s5;
	[dreg:$0x0] =	wrdreg $0x0  }
0xa8: {  	s5 =	sshll.u32 s28, $0x1;
	[dreg:$0x2] =	wrdreg s3  }
0xa9: {  	[dreg:$0x3] =	wrdreg s5  }
0xaa: {  	[dreg:$0x4] =	wrdreg $0xC0  }
0xab: {  	_ =	task [dreg:s7], $0x5FFFF  }
0xac: {  	[dreg:$0x1] =	wrdreg $0xFFFFFFFF  }
0xad: {  	[dreg:$0x0] =	wrdreg $0x60  }
0xae: {  	[dreg:$0x2] =	wrdreg s24  }
0xaf: {  	[dreg:$0x3] =	wrdreg s2  }
0xb0: {  	[dreg:$0x4] =	wrdreg $0xF2A00  }
0xb1: {  	[dreg:$0x5] =	wrdreg $0xCB200  }
0xb2: {  	[dreg:$0x6] =	wrdreg $0x9  }
0xb3: {  	_ =	task.clear_ibuf [dreg:s7], $0x7FFFF;
	_ =	strace $0x9000004C  }
0xb4: {  	s29 =	simm.s32 $0x9;
	_ =	strace $0x8000004E  }
0xb5: {  	_ =	swait.ge [sflag:s29], $0x1  }
0xb6: {  	[sflag:s29] =	ssyncadd.s32 $0xFFFFFFFF  }
0xb7: {  	_ =	strace $0x9000004E  }
0xb8: {  	_ =	sfence  }
0xb9: {  	s30 =	sld [smem:$0x0];
	_ =	sdelay $0x2  }
0xba: {  	s31 =	sshll.u32 s1, $0xD;
	s1 =	sshrl.u32 s1, $0x2  }
0xbb: {  	s3 =	sand.u32 $0x4000, s31;
	s1 =	sadd.s32 s1, s30  }
0xbc: {  	s0 =	sor.u32 s3, s0;
	s1 =	sshll.u32 s1, $0x11  }
0xbd: {  	s0 =	sor.u32 s1, s0  }
0xbe: {  	s0 =	sadd.s32 $0x8F2B, s0  }
0xbf: {  	[sflag:s0] =	ssyncadd.remote.s32 $0x1  }
0xc0: {  	_ =	sfence.sel $0xFFFF  }
0xc1: {  	[dreg:$0x0] =	wrdreg $0xFFFFFFFF;
	(pc) =	sbr.abs _section_cstart, $3  }
0xc2: {  	[dreg:$0x1] =	wrdreg $0xFFFFFFFF  }
0xc3: {  	_ =	task.clear_ibuf [dreg:s7], $0x2FFFF;
	_ =	strace $0x9FFFFFFF  }
0xc4: {  	(tm) =	ssettm $0x7FFFFFFF  }
0xc5: {  	_ =	shalt  }
tec
execute0_lowered:
.L_overlay_start_1:
0x0: {  	(tag) =	ssettag $0x1  }
0x1: {  	s1 =	rddreg [dreg:$0x0]  }
0x2: {  	s4 =	rddreg [dreg:$0x1]  }
0x3: {  	s12 =	stileid.u32;
	s3 =	srdreg.scid  }
0x4: {  	s2 =	rddreg [dreg:$0x2];
	s18 =	simm.s32 $0x0;
	s31 =	simm.s32 $0x2710  }
0x5: {  	s29 =	simm.s32 $0x7D0;
	s30 =	simm.s32 $0x2AF8;
	s26 =	simm.s32 $0xBB8  }
0x6: {  	s28 =	simm.s32 $0x2EE0;
	s24 =	simm.s32 $0xFA0;
	s25 =	simm.s32 $0x32C8  }
0x7: {  	s22 =	simm.s32 $0x1388;
	s23 =	simm.s32 $0x36B0;
	s20 =	simm.s32 $0x1770  }
0x8: {  	s21 =	simm.s32 $0x3A98;
	p0 =	por $0x0, $0x0;
	s5 =	smul.u32 $0x2780, s12  }
0x9: {  	s6 =	sand.u32 $0x1, s3;
	s3 =	rddreg [dreg:$0x3];
	s8 =	smul.u32 $0x2710, s12  }
0xa: {  	[smem:$0x7FF] =	sst s18;
	s16 =	sshll.u32 s12, $0x6;
	s7 =	smul.u32 $0x27100, s6  }
0xb: {  	s9 =	smul.u32 $0x27800, s6;
	_ =	strace $0x8000004D;
	s6 =	ssub.s32 $0x2, s6  }
0xc: {  	s10 =	sshrl.u32 s5, $0x3;
	s11 =	sshrl.u32 s6, $0x1;
	s14 =	sadd.s32 s5, s2  }
0xd: {  	s17 =	sadd.s32 s5, s3;
	s7 =	sadd.s32 s8, s7;
	s0 =	sadd.s32 s10, s1  }
0xe: {  	s9 =	sadd.s32 s5, s9;
	s4 =	sadd.s32 s4, s10;
	s6 =	ssub.s32 s6, s11  }
0xf: {  	s5 =	simm.s32 $0x3;
	s11 =	simm.s32 $0x4E20;
	s10 =	simm.s32 $0x8CA0  }
0x10: {  	s8 =	simm.s32 $0x2;
	s7 =	sshrl.u32 s7, $0x3;
	s9 =	sshrl.u32 s9, $0x3  }
0x11: {  	[dreg:$0x5] =	wrdreg s4;
	s13 =	sadd.s32 $0xC000, s0;
	s4 =	sor.u32 $0x1C03, s16  }
0x12: {  	s19 =	smax.u32 s6, $0x1;
	s6 =	sshrl.u32 s14, $0x3;
	s16 =	simm.s32 $0x4268  }
0x13: {  	s14 =	simm.s32 $0x4650;
	s7 =	sadd.s32 s7, s1;
	s1 =	sadd.s32 s9, s1  }
0x14: {  	[dreg:$0x6] =	wrdreg s13;
	s9 =	simm.s32 $0x1;
	p1 =	sne.s32 s19, $0x1  }
.Ltmp0:
0x15: {  	s0 =	sadd.s32 $0xFFFFFFFF, s19;
	s15 =	sadd.s32 $0x16600, s7;
	(pc) =	sbr.rel @!p1 .LBB2_5-.Ltmp0, $4  }
0x16: {  	s19 =	simm.s32 $0x3E80;
	s7 =	sadd.s32 $0x2200, s7;
	[dreg:$0x7] =	wrdreg s15  }
0x17: {  	s13 =	simm.s32 $0x2328;
	s1 =	sadd.s32 $0x20400, s1;
	[dreg:$0x8] =	wrdreg s7  }
0x18: {  	[dreg:$0x9] =	wrdreg s1;
	s7 =	sshrl.u32 s17, $0x3;
	s17 =	simm.s32 $0x1B58  }
0x19: {  	s15 =	simm.s32 $0x1F40;
	[dreg:$0xa] =	wrdreg s7;
	s7 =	simm.s32 $0x3E8  }
0x1a: {  	s1 =	rddreg [dreg:$0x5]  }
0x1b: {  	[spmem:s6], [sflag:s4] =	dma.local [hbm:s1], $0x4F0  }
0x1c: {  	_ =	swait.ge [sflag:s5], $0x4F0  }
0x1d: {  	s12 =	smov.u32 s0;
	s0 =	rddreg [dreg:$0x6];
	[sflag:s5] =	ssyncset.done $0x0  }
0x1e: {  	s1 =	rddreg [dreg:$0xa];
	[sflag:s5] =	ssyncadd.s32 $0xFFFFFB10  }
0x1f: {  	[spmem:s1], [sflag:s4] =	dma.local [hbm:s0], $0x4F0  }
0x20: {  	_ =	swait.ge [sflag:s5], $0x4F0  }
0x21: {  	[sflag:s5] =	ssyncset.done $0x0  }
0x22: {  	s1 =	rddreg [dreg:$0x7];
	[sflag:s5] =	ssyncadd.s32 $0xFFFFFB10  }
0x23: {  	[tilespmem:s18], [sflag:$0x3] =	stream.linear.gather [hbm4b:s1+s18], $0x2710, $0x38;
	[tilespmem:$0x11A20] =	vst v63  }
0x24: {  	_ =	swait.ge [sflag:s5], $0x2710  }
0x25: {  	[sflag:s5] =	ssyncset.done $0x0  }
0x26: {  	s1 =	rddreg [dreg:$0x8];
	[sflag:s5] =	ssyncadd.s32 $0xFFFFD8F0  }
0x27: {  	[tilespmem:s31], [sflag:$0x3] =	stream.linear.gather [hbm4b:s1+s18], $0x2710, $0x38;
	[tilespmem:$0x11A20] =	vst v63  }
0x28: {  	_ =	swait.ge [sflag:s5], $0x2710  }
0x29: {  	[sflag:s5] =	ssyncset.done $0x0  }
0x2a: {  	[sflag:s5] =	ssyncadd.s32 $0xFFFFD8F0  }
0x2b: {  	[bflag:$0x0] =	sbarrier.arrive $0xFFFF  }
0x2c: {  	[tilespmem:s11], [sflag:$0x1] =	stream.indirect.gather [spmem:s3], $0x10, s18, s7, $0xb8;
	[tilespmem:$0x11A20] =	vst v63  }
0x2d: {  	_ =	swait.ge [sflag:s9], $0x3E80  }
0x2e: {  	[sflag:s9] =	ssyncset.done $0x0  }
0x2f: {  	[sflag:s9] =	ssyncadd.s32 $0xFFFFC180  }
0x30: {  	[tilespmem:s10], [sflag:$0x1] =	stream.indirect.gather [spmem:s3], $0x10, s7, s7, $0xb8;
	[tilespmem:$0x11A20] =	vst v63  }
0x31: {  	_ = 	snop  }
0x32: {  	[spmem:s2] =	stream.indirect.scatter.add.f32 [tilespmem:s11], [sflag:$0x2], $0x10, s31, s7, $0xb8;
	[tilespmem:$0x11A20] =	vst v63  }
0x33: {  	_ =	swait.ge [sflag:s8], $0x3E80  }
0x34: {  	[sflag:s8] =	ssyncset.done $0x0  }
0x35: {  	[sflag:s8] =	ssyncadd.s32 $0xFFFFC180  }
0x36: {  	_ =	swait.ge [sflag:s9], $0x3E80  }
0x37: {  	[sflag:s9] =	ssyncset.done $0x0  }
0x38: {  	[sflag:s9] =	ssyncadd.s32 $0xFFFFC180  }
0x39: {  	[tilespmem:s11], [sflag:$0x1] =	stream.indirect.gather [spmem:s3], $0x10, s29, s7, $0xb8;
	[tilespmem:$0x11A20] =	vst v63  }
0x3a: {  	_ = 	snop  }
0x3b: {  	[spmem:s2] =	stream.indirect.scatter.add.f32 [tilespmem:s10], [sflag:$0x2], $0x10, s30, s7, $0xb8;
	[tilespmem:$0x11A20] =	vst v63  }
0x3c: {  	_ =	swait.ge [sflag:s8], $0x3E80  }
0x3d: {  	[sflag:s8] =	ssyncset.done $0x0  }
0x3e: {  	[sflag:s8] =	ssyncadd.s32 $0xFFFFC180  }
0x3f: {  	_ =	swait.ge [sflag:s9], $0x3E80  }
0x40: {  	[sflag:s9] =	ssyncset.done $0x0  }
0x41: {  	[sflag:s9] =	ssyncadd.s32 $0xFFFFC180  }
0x42: {  	[tilespmem:s10], [sflag:$0x1] =	stream.indirect.gather [spmem:s3], $0x10, s26, s7, $0xb8;
	[tilespmem:$0x11A20] =	vst v63  }
0x43: {  	_ = 	snop  }
0x44: {  	[spmem:s2] =	stream.indirect.scatter.add.f32 [tilespmem:s11], [sflag:$0x2], $0x10, s28, s7, $0xb8;
	[tilespmem:$0x11A20] =	vst v63  }
0x45: {  	_ =	swait.ge [sflag:s8], $0x3E80  }
0x46: {  	[sflag:s8] =	ssyncset.done $0x0  }
0x47: {  	[sflag:s8] =	ssyncadd.s32 $0xFFFFC180  }
0x48: {  	_ =	swait.ge [sflag:s9], $0x3E80  }
0x49: {  	[sflag:s9] =	ssyncset.done $0x0  }
0x4a: {  	[sflag:s9] =	ssyncadd.s32 $0xFFFFC180  }
0x4b: {  	[tilespmem:s11], [sflag:$0x1] =	stream.indirect.gather [spmem:s3], $0x10, s24, s7, $0xb8;
	[tilespmem:$0x11A20] =	vst v63  }
0x4c: {  	_ = 	snop  }
0x4d: {  	[spmem:s2] =	stream.indirect.scatter.add.f32 [tilespmem:s10], [sflag:$0x2], $0x10, s25, s7, $0xb8;
	[tilespmem:$0x11A20] =	vst v63  }
0x4e: {  	_ =	swait.ge [sflag:s8], $0x3E80  }
0x4f: {  	[sflag:s8] =	ssyncset.done $0x0  }
0x50: {  	[sflag:s8] =	ssyncadd.s32 $0xFFFFC180  }
0x51: {  	_ =	swait.ge [sflag:s9], $0x3E80  }
0x52: {  	[sflag:s9] =	ssyncset.done $0x0  }
0x53: {  	[sflag:s9] =	ssyncadd.s32 $0xFFFFC180  }
0x54: {  	[tilespmem:s10], [sflag:$0x1] =	stream.indirect.gather [spmem:s3], $0x10, s22, s7, $0xb8;
	[tilespmem:$0x11A20] =	vst v63  }
0x55: {  	_ = 	snop  }
0x56: {  	[spmem:s2] =	stream.indirect.scatter.add.f32 [tilespmem:s11], [sflag:$0x2], $0x10, s23, s7, $0xb8;
	[tilespmem:$0x11A20] =	vst v63  }
0x57: {  	_ =	swait.ge [sflag:s8], $0x3E80  }
0x58: {  	[sflag:s8] =	ssyncset.done $0x0  }
0x59: {  	[sflag:s8] =	ssyncadd.s32 $0xFFFFC180  }
0x5a: {  	_ =	swait.ge [sflag:s9], $0x3E80  }
0x5b: {  	[sflag:s9] =	ssyncset.done $0x0  }
0x5c: {  	[sflag:s9] =	ssyncadd.s32 $0xFFFFC180  }
0x5d: {  	[tilespmem:s11], [sflag:$0x1] =	stream.indirect.gather [spmem:s3], $0x10, s20, s7, $0xb8;
	[tilespmem:$0x11A20] =	vst v63  }
0x5e: {  	_ = 	snop  }
0x5f: {  	[spmem:s2] =	stream.indirect.scatter.add.f32 [tilespmem:s10], [sflag:$0x2], $0x10, s21, s7, $0xb8;
	[tilespmem:$0x11A20] =	vst v63  }
0x60: {  	_ =	swait.ge [sflag:s8], $0x3E80  }
0x61: {  	[sflag:s8] =	ssyncset.done $0x0  }
0x62: {  	[sflag:s8] =	ssyncadd.s32 $0xFFFFC180  }
0x63: {  	_ =	swait.ge [sflag:s9], $0x3E80  }
0x64: {  	[sflag:s9] =	ssyncset.done $0x0  }
0x65: {  	[sflag:s9] =	ssyncadd.s32 $0xFFFFC180  }
0x66: {  	[tilespmem:s10], [sflag:$0x1] =	stream.indirect.gather [spmem:s3], $0x10, s17, s7, $0xb8;
	[tilespmem:$0x11A20] =	vst v63  }
0x67: {  	_ = 	snop  }
0x68: {  	[spmem:s2] =	stream.indirect.scatter.add.f32 [tilespmem:s11], [sflag:$0x2], $0x10, s19, s7, $0xb8;
	[tilespmem:$0x11A20] =	vst v63  }
0x69: {  	_ =	swait.ge [sflag:s8], $0x3E80  }
0x6a: {  	[sflag:s8] =	ssyncset.done $0x0  }
0x6b: {  	[sflag:s8] =	ssyncadd.s32 $0xFFFFC180  }
0x6c: {  	_ =	swait.ge [sflag:s9], $0x3E80  }
0x6d: {  	[sflag:s9] =	ssyncset.done $0x0  }
0x6e: {  	[sflag:s9] =	ssyncadd.s32 $0xFFFFC180  }
0x6f: {  	[tilespmem:s11], [sflag:$0x1] =	stream.indirect.gather [spmem:s3], $0x10, s15, s7, $0xb8;
	[tilespmem:$0x11A20] =	vst v63  }
0x70: {  	_ = 	snop  }
0x71: {  	[spmem:s2] =	stream.indirect.scatter.add.f32 [tilespmem:s10], [sflag:$0x2], $0x10, s16, s7, $0xb8;
	[tilespmem:$0x11A20] =	vst v63  }
0x72: {  	_ =	swait.ge [sflag:s8], $0x3E80  }
0x73: {  	[sflag:s8] =	ssyncset.done $0x0  }
0x74: {  	[sflag:s8] =	ssyncadd.s32 $0xFFFFC180  }
0x75: {  	_ =	swait.ge [sflag:s9], $0x3E80  }
0x76: {  	[sflag:s9] =	ssyncset.done $0x0  }
0x77: {  	[sflag:s9] =	ssyncadd.s32 $0xFFFFC180  }
0x78: {  	[tilespmem:s10], [sflag:$0x1] =	stream.indirect.gather [spmem:s3], $0x10, s13, s7, $0xb8;
	[tilespmem:$0x11A20] =	vst v63  }
0x79: {  	_ = 	snop  }
0x7a: {  	[spmem:s2] =	stream.indirect.scatter.add.f32 [tilespmem:s11], [sflag:$0x2], $0x10, s14, s7, $0xb8;
	[tilespmem:$0x11A20] =	vst v63  }
0x7b: {  	_ =	swait.ge [sflag:s8], $0x3E80  }
0x7c: {  	[sflag:s8] =	ssyncset.done $0x0  }
0x7d: {  	[sflag:s8] =	ssyncadd.s32 $0xFFFFC180  }
0x7e: {  	_ =	swait.ge [sflag:s9], $0x3E80  }
0x7f: {  	[sflag:s9] =	ssyncset.done $0x0  }
0x80: {  	s1 =	simm.s32 $0x4A38;
	[sflag:s9] =	ssyncadd.s32 $0xFFFFC180  }
0x81: {  	[spmem:s2] =	stream.indirect.scatter.add.f32 [tilespmem:s10], [sflag:$0x2], $0x10, s1, s7, $0xb8;
	[tilespmem:$0x11A20] =	vst v63  }
0x82: {  	_ =	swait.ge [sflag:s8], $0x3E80  }
0x83: {  	p1 =	sne.s32 s12, $0x1;
	[sflag:s8] =	ssyncset.done $0x0  }
.Ltmp1:
0x84: {  	[sflag:s8] =	ssyncadd.s32 $0xFFFFC180;
	(pc) =	sbr.rel @!p1 .LBB2_2-.Ltmp1, $4  }
0x85: {  	[bflag:$0x0] =	sbarrier.arrive $0xFFFF  }
0x86: {  	s1 =	rddreg [dreg:$0x9]  }
0x87: {  	[hbm:s1], [sflag:s4] =	dma.local [spmem:s6], $0x4F0  }
0x88: {  	p0 =	por $0x1, $0x1;
	s1 =	sadd.s32 $0xFFFFFFFF, s12;
	_ =	swait.ge [sflag:s5], $0x4F0  }
.LBB2_3:
0x89: {  	[sflag:s5] =	ssyncset.done $0x0  }
0x8a: {  	s0 =	rddreg [dreg:$0x5];
	[sflag:s5] =	ssyncadd.s32 $0xFFFFFB10  }
0x8b: {  	[spmem:s6], [sflag:s4] =	dma.local [hbm:s0], $0x4F0  }
0x8c: {  	_ =	swait.ge [sflag:s5], $0x4F0  }
0x8d: {  	[sflag:s5] =	ssyncset.done $0x0;
	s0 =	rddreg [dreg:$0x6]  }
0x8e: {  	s12 =	rddreg [dreg:$0xa];
	[sflag:s5] =	ssyncadd.s32 $0xFFFFFB10  }
0x8f: {  	[spmem:s12], [sflag:s4] =	dma.local [hbm:s0], $0x4F0  }
0x90: {  	_ =	swait.ge [sflag:s5], $0x4F0  }
0x91: {  	[sflag:s5] =	ssyncset.done $0x0  }
0x92: {  	s12 =	rddreg [dreg:$0x7];
	[sflag:s5] =	ssyncadd.s32 $0xFFFFFB10  }
0x93: {  	[tilespmem:s18], [sflag:$0x3] =	stream.linear.gather [hbm4b:s12+s18], $0x2710, $0x38;
	[tilespmem:$0x11A20] =	vst v63  }
0x94: {  	_ =	swait.ge [sflag:s5], $0x2710  }
0x95: {  	[sflag:s5] =	ssyncset.done $0x0  }
0x96: {  	s12 =	rddreg [dreg:$0x8];
	[sflag:s5] =	ssyncadd.s32 $0xFFFFD8F0  }
0x97: {  	[tilespmem:s31], [sflag:$0x3] =	stream.linear.gather [hbm4b:s12+s18], $0x2710, $0x38;
	[tilespmem:$0x11A20] =	vst v63  }
0x98: {  	_ =	swait.ge [sflag:s5], $0x2710  }
0x99: {  	[sflag:s5] =	ssyncset.done $0x0  }
0x9a: {  	[sflag:s5] =	ssyncadd.s32 $0xFFFFD8F0  }
0x9b: {  	[bflag:$0x0] =	sbarrier.arrive $0xFFFF  }
0x9c: {  	[tilespmem:s11], [sflag:$0x1] =	stream.indirect.gather [spmem:s3], $0x10, s18, s7, $0xb8;
	[tilespmem:$0x11A20] =	vst v63  }
0x9d: {  	_ =	swait.ge [sflag:s9], $0x3E80  }
0x9e: {  	[sflag:s9] =	ssyncset.done $0x0  }
0x9f: {  	[sflag:s9] =	ssyncadd.s32 $0xFFFFC180  }
0xa0: {  	[tilespmem:s10], [sflag:$0x1] =	stream.indirect.gather [spmem:s3], $0x10, s7, s7, $0xb8;
	[tilespmem:$0x11A20] =	vst v63  }
0xa1: {  	_ = 	snop  }
0xa2: {  	[spmem:s2] =	stream.indirect.scatter.add.f32 [tilespmem:s11], [sflag:$0x2], $0x10, s31, s7, $0xb8;
	[tilespmem:$0x11A20] =	vst v63  }
0xa3: {  	_ =	swait.ge [sflag:s8], $0x3E80  }
0xa4: {  	[sflag:s8] =	ssyncset.done $0x0  }
0xa5: {  	[sflag:s8] =	ssyncadd.s32 $0xFFFFC180  }
0xa6: {  	_ =	swait.ge [sflag:s9], $0x3E80  }
0xa7: {  	[sflag:s9] =	ssyncset.done $0x0  }
0xa8: {  	[sflag:s9] =	ssyncadd.s32 $0xFFFFC180  }
0xa9: {  	[tilespmem:s11], [sflag:$0x1] =	stream.indirect.gather [spmem:s3], $0x10, s29, s7, $0xb8;
	[tilespmem:$0x11A20] =	vst v63  }
0xaa: {  	_ = 	snop  }
0xab: {  	[spmem:s2] =	stream.indirect.scatter.add.f32 [tilespmem:s10], [sflag:$0x2], $0x10, s30, s7, $0xb8;
	[tilespmem:$0x11A20] =	vst v63  }
0xac: {  	_ =	swait.ge [sflag:s8], $0x3E80  }
0xad: {  	[sflag:s8] =	ssyncset.done $0x0  }
0xae: {  	[sflag:s8] =	ssyncadd.s32 $0xFFFFC180  }
0xaf: {  	_ =	swait.ge [sflag:s9], $0x3E80  }
0xb0: {  	[sflag:s9] =	ssyncset.done $0x0  }
0xb1: {  	[sflag:s9] =	ssyncadd.s32 $0xFFFFC180  }
0xb2: {  	[tilespmem:s10], [sflag:$0x1] =	stream.indirect.gather [spmem:s3], $0x10, s26, s7, $0xb8;
	[tilespmem:$0x11A20] =	vst v63  }
0xb3: {  	_ = 	snop  }
0xb4: {  	[spmem:s2] =	stream.indirect.scatter.add.f32 [tilespmem:s11], [sflag:$0x2], $0x10, s28, s7, $0xb8;
	[tilespmem:$0x11A20] =	vst v63  }
0xb5: {  	_ =	swait.ge [sflag:s8], $0x3E80  }
0xb6: {  	[sflag:s8] =	ssyncset.done $0x0  }
0xb7: {  	[sflag:s8] =	ssyncadd.s32 $0xFFFFC180  }
0xb8: {  	_ =	swait.ge [sflag:s9], $0x3E80  }
0xb9: {  	[sflag:s9] =	ssyncset.done $0x0  }
0xba: {  	[sflag:s9] =	ssyncadd.s32 $0xFFFFC180  }
0xbb: {  	[tilespmem:s11], [sflag:$0x1] =	stream.indirect.gather [spmem:s3], $0x10, s24, s7, $0xb8;
	[tilespmem:$0x11A20] =	vst v63  }
0xbc: {  	_ = 	snop  }
0xbd: {  	[spmem:s2] =	stream.indirect.scatter.add.f32 [tilespmem:s10], [sflag:$0x2], $0x10, s25, s7, $0xb8;
	[tilespmem:$0x11A20] =	vst v63  }
0xbe: {  	_ =	swait.ge [sflag:s8], $0x3E80  }
0xbf: {  	[sflag:s8] =	ssyncset.done $0x0  }
0xc0: {  	[sflag:s8] =	ssyncadd.s32 $0xFFFFC180  }
0xc1: {  	_ =	swait.ge [sflag:s9], $0x3E80  }
0xc2: {  	[sflag:s9] =	ssyncset.done $0x0  }
0xc3: {  	[sflag:s9] =	ssyncadd.s32 $0xFFFFC180  }
0xc4: {  	[tilespmem:s10], [sflag:$0x1] =	stream.indirect.gather [spmem:s3], $0x10, s22, s7, $0xb8;
	[tilespmem:$0x11A20] =	vst v63  }
0xc5: {  	_ = 	snop  }
0xc6: {  	[spmem:s2] =	stream.indirect.scatter.add.f32 [tilespmem:s11], [sflag:$0x2], $0x10, s23, s7, $0xb8;
	[tilespmem:$0x11A20] =	vst v63  }
0xc7: {  	_ =	swait.ge [sflag:s8], $0x3E80  }
0xc8: {  	[sflag:s8] =	ssyncset.done $0x0  }
0xc9: {  	[sflag:s8] =	ssyncadd.s32 $0xFFFFC180  }
0xca: {  	_ =	swait.ge [sflag:s9], $0x3E80  }
0xcb: {  	[sflag:s9] =	ssyncset.done $0x0  }
0xcc: {  	[sflag:s9] =	ssyncadd.s32 $0xFFFFC180  }
0xcd: {  	[tilespmem:s11], [sflag:$0x1] =	stream.indirect.gather [spmem:s3], $0x10, s20, s7, $0xb8;
	[tilespmem:$0x11A20] =	vst v63  }
0xce: {  	_ = 	snop  }
0xcf: {  	[spmem:s2] =	stream.indirect.scatter.add.f32 [tilespmem:s10], [sflag:$0x2], $0x10, s21, s7, $0xb8;
	[tilespmem:$0x11A20] =	vst v63  }
0xd0: {  	_ =	swait.ge [sflag:s8], $0x3E80  }
0xd1: {  	[sflag:s8] =	ssyncset.done $0x0  }
0xd2: {  	[sflag:s8] =	ssyncadd.s32 $0xFFFFC180  }
0xd3: {  	_ =	swait.ge [sflag:s9], $0x3E80  }
0xd4: {  	[sflag:s9] =	ssyncset.done $0x0  }
0xd5: {  	[sflag:s9] =	ssyncadd.s32 $0xFFFFC180  }
0xd6: {  	[tilespmem:s10], [sflag:$0x1] =	stream.indirect.gather [spmem:s3], $0x10, s17, s7, $0xb8;
	[tilespmem:$0x11A20] =	vst v63  }
0xd7: {  	_ = 	snop  }
0xd8: {  	[spmem:s2] =	stream.indirect.scatter.add.f32 [tilespmem:s11], [sflag:$0x2], $0x10, s19, s7, $0xb8;
	[tilespmem:$0x11A20] =	vst v63  }
0xd9: {  	_ =	swait.ge [sflag:s8], $0x3E80  }
0xda: {  	[sflag:s8] =	ssyncset.done $0x0  }
0xdb: {  	[sflag:s8] =	ssyncadd.s32 $0xFFFFC180  }
0xdc: {  	_ =	swait.ge [sflag:s9], $0x3E80  }
0xdd: {  	[sflag:s9] =	ssyncset.done $0x0  }
0xde: {  	[sflag:s9] =	ssyncadd.s32 $0xFFFFC180  }
0xdf: {  	[tilespmem:s11], [sflag:$0x1] =	stream.indirect.gather [spmem:s3], $0x10, s15, s7, $0xb8;
	[tilespmem:$0x11A20] =	vst v63  }
0xe0: {  	_ = 	snop  }
0xe1: {  	[spmem:s2] =	stream.indirect.scatter.add.f32 [tilespmem:s10], [sflag:$0x2], $0x10, s16, s7, $0xb8;
	[tilespmem:$0x11A20] =	vst v63  }
0xe2: {  	_ =	swait.ge [sflag:s8], $0x3E80  }
0xe3: {  	[sflag:s8] =	ssyncset.done $0x0  }
0xe4: {  	[sflag:s8] =	ssyncadd.s32 $0xFFFFC180  }
0xe5: {  	_ =	swait.ge [sflag:s9], $0x3E80  }
0xe6: {  	[sflag:s9] =	ssyncset.done $0x0  }
0xe7: {  	[sflag:s9] =	ssyncadd.s32 $0xFFFFC180  }
0xe8: {  	[tilespmem:s10], [sflag:$0x1] =	stream.indirect.gather [spmem:s3], $0x10, s13, s7, $0xb8;
	[tilespmem:$0x11A20] =	vst v63  }
0xe9: {  	_ = 	snop  }
0xea: {  	[spmem:s2] =	stream.indirect.scatter.add.f32 [tilespmem:s11], [sflag:$0x2], $0x10, s14, s7, $0xb8;
	[tilespmem:$0x11A20] =	vst v63  }
0xeb: {  	_ =	swait.ge [sflag:s8], $0x3E80  }
0xec: {  	[sflag:s8] =	ssyncset.done $0x0  }
0xed: {  	[sflag:s8] =	ssyncadd.s32 $0xFFFFC180  }
0xee: {  	_ =	swait.ge [sflag:s9], $0x3E80  }
0xef: {  	[sflag:s9] =	ssyncset.done $0x0  }
0xf0: {  	s12 =	simm.s32 $0x4A38;
	[sflag:s9] =	ssyncadd.s32 $0xFFFFC180  }
0xf1: {  	[spmem:s2] =	stream.indirect.scatter.add.f32 [tilespmem:s10], [sflag:$0x2], $0x10, s12, s7, $0xb8;
	[tilespmem:$0x11A20] =	vst v63  }
0xf2: {  	_ =	swait.ge [sflag:s8], $0x3E80  }
0xf3: {  	p1 =	sne.s32 s1, $0x1;
	[sflag:s8] =	ssyncset.done $0x0  }
.Ltmp2:
0xf4: {  	[sflag:s8] =	ssyncadd.s32 $0xFFFFC180;
	(pc) =	sbr.rel @p1 .LBB2_3-.Ltmp2, $4  }
0xf5: {  	[bflag:$0x0] =	sbarrier.arrive $0xFFFF  }
0xf6: {  	s12 =	rddreg [dreg:$0x9]  }
0xf7: {  	[hbm:s12], [sflag:s4] =	dma.local [spmem:s6], $0x4F0  }
0xf8: {  	s1 =	sadd.s32 $0xFFFFFFFF, s1;
	_ =	swait.ge [sflag:s5], $0x4F0  }
0xf9: {  	s12 =	stileid.u32  }
.LBB2_5:
0xfa: {  	[sflag:s5] =	ssyncset.done @p0 $0x0  }
0xfb: {  	s0 =	rddreg [dreg:$0x5];
	[sflag:s5] =	ssyncadd.s32 @p0 $0xFFFFFB10  }
0xfc: {  	[spmem:s6], [sflag:s4] =	dma.local [hbm:s0], $0x4F0  }
0xfd: {  	_ =	swait.ge [sflag:s5], $0x4F0  }
0xfe: {  	s0 =	rddreg [dreg:$0x6];
	[sflag:s5] =	ssyncset.done $0x0  }
0xff: {  	s1 =	rddreg [dreg:$0xa];
	[sflag:s5] =	ssyncadd.s32 $0xFFFFFB10  }
0x100: {  	[spmem:s1], [sflag:s4] =	dma.local [hbm:s0], $0x4F0  }
0x101: {  	_ =	swait.ge [sflag:s5], $0x4F0  }
0x102: {  	[sflag:s5] =	ssyncset.done $0x0  }
0x103: {  	s1 =	rddreg [dreg:$0x7];
	[sflag:s5] =	ssyncadd.s32 $0xFFFFFB10  }
0x104: {  	[tilespmem:s18], [sflag:$0x3] =	stream.linear.gather [hbm4b:s1+s18], $0x2710, $0x38;
	[tilespmem:$0x11A20] =	vst v63  }
0x105: {  	_ =	swait.ge [sflag:s5], $0x2710  }
0x106: {  	[sflag:s5] =	ssyncset.done $0x0  }
0x107: {  	s1 =	rddreg [dreg:$0x8];
	[sflag:s5] =	ssyncadd.s32 $0xFFFFD8F0  }
0x108: {  	[tilespmem:s31], [sflag:$0x3] =	stream.linear.gather [hbm4b:s1+s18], $0x2710, $0x38;
	[tilespmem:$0x11A20] =	vst v63  }
0x109: {  	_ =	swait.ge [sflag:s5], $0x2710  }
0x10a: {  	[sflag:s5] =	ssyncset.done $0x0  }
0x10b: {  	[sflag:s5] =	ssyncadd.s32 $0xFFFFD8F0  }
0x10c: {  	[bflag:$0x0] =	sbarrier.arrive $0xFFFF  }
0x10d: {  	[tilespmem:s11], [sflag:$0x1] =	stream.indirect.gather [spmem:s3], $0x10, s18, s7, $0xb8;
	[tilespmem:$0x11A20] =	vst v63  }
0x10e: {  	_ =	swait.ge [sflag:s9], $0x3E80  }
0x10f: {  	[sflag:s9] =	ssyncset.done $0x0  }
0x110: {  	[sflag:s9] =	ssyncadd.s32 $0xFFFFC180  }
0x111: {  	[tilespmem:s10], [sflag:$0x1] =	stream.indirect.gather [spmem:s3], $0x10, s7, s7, $0xb8;
	[tilespmem:$0x11A20] =	vst v63  }
0x112: {  	_ = 	snop  }
0x113: {  	[spmem:s2] =	stream.indirect.scatter.add.f32 [tilespmem:s11], [sflag:$0x2], $0x10, s31, s7, $0xb8;
	[tilespmem:$0x11A20] =	vst v63  }
0x114: {  	_ =	swait.ge [sflag:s8], $0x3E80  }
0x115: {  	[sflag:s8] =	ssyncset.done $0x0  }
0x116: {  	[sflag:s8] =	ssyncadd.s32 $0xFFFFC180  }
0x117: {  	_ =	swait.ge [sflag:s9], $0x3E80  }
0x118: {  	[sflag:s9] =	ssyncset.done $0x0  }
0x119: {  	[sflag:s9] =	ssyncadd.s32 $0xFFFFC180  }
0x11a: {  	[tilespmem:s11], [sflag:$0x1] =	stream.indirect.gather [spmem:s3], $0x10, s29, s7, $0xb8;
	[tilespmem:$0x11A20] =	vst v63  }
0x11b: {  	_ = 	snop  }
0x11c: {  	[spmem:s2] =	stream.indirect.scatter.add.f32 [tilespmem:s10], [sflag:$0x2], $0x10, s30, s7, $0xb8;
	[tilespmem:$0x11A20] =	vst v63  }
0x11d: {  	_ =	swait.ge [sflag:s8], $0x3E80  }
0x11e: {  	[sflag:s8] =	ssyncset.done $0x0  }
0x11f: {  	[sflag:s8] =	ssyncadd.s32 $0xFFFFC180  }
0x120: {  	_ =	swait.ge [sflag:s9], $0x3E80  }
0x121: {  	[sflag:s9] =	ssyncset.done $0x0  }
0x122: {  	[sflag:s9] =	ssyncadd.s32 $0xFFFFC180  }
0x123: {  	[tilespmem:s10], [sflag:$0x1] =	stream.indirect.gather [spmem:s3], $0x10, s26, s7, $0xb8;
	[tilespmem:$0x11A20] =	vst v63  }
0x124: {  	_ = 	snop  }
0x125: {  	[spmem:s2] =	stream.indirect.scatter.add.f32 [tilespmem:s11], [sflag:$0x2], $0x10, s28, s7, $0xb8;
	[tilespmem:$0x11A20] =	vst v63  }
0x126: {  	_ =	swait.ge [sflag:s8], $0x3E80  }
0x127: {  	[sflag:s8] =	ssyncset.done $0x0  }
0x128: {  	[sflag:s8] =	ssyncadd.s32 $0xFFFFC180  }
0x129: {  	_ =	swait.ge [sflag:s9], $0x3E80  }
0x12a: {  	[sflag:s9] =	ssyncset.done $0x0  }
0x12b: {  	[sflag:s9] =	ssyncadd.s32 $0xFFFFC180  }
0x12c: {  	[tilespmem:s11], [sflag:$0x1] =	stream.indirect.gather [spmem:s3], $0x10, s24, s7, $0xb8;
	[tilespmem:$0x11A20] =	vst v63  }
0x12d: {  	_ = 	snop  }
0x12e: {  	[spmem:s2] =	stream.indirect.scatter.add.f32 [tilespmem:s10], [sflag:$0x2], $0x10, s25, s7, $0xb8;
	[tilespmem:$0x11A20] =	vst v63  }
0x12f: {  	_ =	swait.ge [sflag:s8], $0x3E80  }
0x130: {  	[sflag:s8] =	ssyncset.done $0x0  }
0x131: {  	[sflag:s8] =	ssyncadd.s32 $0xFFFFC180  }
0x132: {  	_ =	swait.ge [sflag:s9], $0x3E80  }
0x133: {  	[sflag:s9] =	ssyncset.done $0x0  }
0x134: {  	[sflag:s9] =	ssyncadd.s32 $0xFFFFC180  }
0x135: {  	[tilespmem:s10], [sflag:$0x1] =	stream.indirect.gather [spmem:s3], $0x10, s22, s7, $0xb8;
	[tilespmem:$0x11A20] =	vst v63  }
0x136: {  	_ = 	snop  }
0x137: {  	[spmem:s2] =	stream.indirect.scatter.add.f32 [tilespmem:s11], [sflag:$0x2], $0x10, s23, s7, $0xb8;
	[tilespmem:$0x11A20] =	vst v63  }
0x138: {  	_ =	swait.ge [sflag:s8], $0x3E80  }
0x139: {  	[sflag:s8] =	ssyncset.done $0x0  }
0x13a: {  	[sflag:s8] =	ssyncadd.s32 $0xFFFFC180  }
0x13b: {  	_ =	swait.ge [sflag:s9], $0x3E80  }
0x13c: {  	[sflag:s9] =	ssyncset.done $0x0  }
0x13d: {  	[sflag:s9] =	ssyncadd.s32 $0xFFFFC180  }
0x13e: {  	[tilespmem:s11], [sflag:$0x1] =	stream.indirect.gather [spmem:s3], $0x10, s20, s7, $0xb8;
	[tilespmem:$0x11A20] =	vst v63  }
0x13f: {  	_ = 	snop  }
0x140: {  	[spmem:s2] =	stream.indirect.scatter.add.f32 [tilespmem:s10], [sflag:$0x2], $0x10, s21, s7, $0xb8;
	[tilespmem:$0x11A20] =	vst v63  }
0x141: {  	_ =	swait.ge [sflag:s8], $0x3E80  }
0x142: {  	[sflag:s8] =	ssyncset.done $0x0  }
0x143: {  	[sflag:s8] =	ssyncadd.s32 $0xFFFFC180  }
0x144: {  	_ =	swait.ge [sflag:s9], $0x3E80  }
0x145: {  	[sflag:s9] =	ssyncset.done $0x0  }
0x146: {  	[sflag:s9] =	ssyncadd.s32 $0xFFFFC180  }
0x147: {  	[tilespmem:s10], [sflag:$0x1] =	stream.indirect.gather [spmem:s3], $0x10, s17, s7, $0xb8;
	[tilespmem:$0x11A20] =	vst v63  }
0x148: {  	_ = 	snop  }
0x149: {  	[spmem:s2] =	stream.indirect.scatter.add.f32 [tilespmem:s11], [sflag:$0x2], $0x10, s19, s7, $0xb8;
	[tilespmem:$0x11A20] =	vst v63  }
0x14a: {  	_ =	swait.ge [sflag:s8], $0x3E80  }
0x14b: {  	[sflag:s8] =	ssyncset.done $0x0  }
0x14c: {  	[sflag:s8] =	ssyncadd.s32 $0xFFFFC180  }
0x14d: {  	_ =	swait.ge [sflag:s9], $0x3E80  }
0x14e: {  	[sflag:s9] =	ssyncset.done $0x0  }
0x14f: {  	[sflag:s9] =	ssyncadd.s32 $0xFFFFC180  }
0x150: {  	[tilespmem:s11], [sflag:$0x1] =	stream.indirect.gather [spmem:s3], $0x10, s15, s7, $0xb8;
	[tilespmem:$0x11A20] =	vst v63  }
0x151: {  	_ = 	snop  }
0x152: {  	[spmem:s2] =	stream.indirect.scatter.add.f32 [tilespmem:s10], [sflag:$0x2], $0x10, s16, s7, $0xb8;
	[tilespmem:$0x11A20] =	vst v63  }
0x153: {  	_ =	swait.ge [sflag:s8], $0x3E80  }
0x154: {  	[sflag:s8] =	ssyncset.done $0x0  }
0x155: {  	[sflag:s8] =	ssyncadd.s32 $0xFFFFC180  }
0x156: {  	_ =	swait.ge [sflag:s9], $0x3E80  }
0x157: {  	[sflag:s9] =	ssyncset.done $0x0  }
0x158: {  	[sflag:s9] =	ssyncadd.s32 $0xFFFFC180  }
0x159: {  	[tilespmem:s10], [sflag:$0x1] =	stream.indirect.gather [spmem:s3], $0x10, s13, s7, $0xb8;
	[tilespmem:$0x11A20] =	vst v63  }
0x15a: {  	_ = 	snop  }
0x15b: {  	[spmem:s2] =	stream.indirect.scatter.add.f32 [tilespmem:s11], [sflag:$0x2], $0x10, s14, s7, $0xb8;
	[tilespmem:$0x11A20] =	vst v63  }
0x15c: {  	_ =	swait.ge [sflag:s8], $0x3E80  }
0x15d: {  	[sflag:s8] =	ssyncset.done $0x0  }
0x15e: {  	[sflag:s8] =	ssyncadd.s32 $0xFFFFC180  }
0x15f: {  	_ =	swait.ge [sflag:s9], $0x3E80  }
0x160: {  	[sflag:s9] =	ssyncset.done $0x0  }
0x161: {  	s30 =	simm.s32 $0x4A38;
	[sflag:s9] =	ssyncadd.s32 $0xFFFFC180  }
0x162: {  	[spmem:s2] =	stream.indirect.scatter.add.f32 [tilespmem:s10], [sflag:$0x2], $0x10, s30, s7, $0xb8;
	[tilespmem:$0x11A20] =	vst v63  }
0x163: {  	_ =	swait.ge [sflag:s8], $0x3E80  }
0x164: {  	[sflag:s8] =	ssyncset.done $0x0  }
0x165: {  	[sflag:s8] =	ssyncadd.s32 $0xFFFFC180  }
0x166: {  	[bflag:$0x0] =	sbarrier.arrive $0xFFFF  }
0x167: {  	s31 =	rddreg [dreg:$0x9]  }
0x168: {  	[hbm:s31], [sflag:s4] =	dma.local [spmem:s6], $0x4F0  }
0x169: {  	_ =	swait.ge [sflag:s5], $0x4F0  }
0x16a: {  	[sflag:s5] =	ssyncset.done $0x0  }
0x16b: {  	[sflag:s5] =	ssyncadd.s32 $0xFFFFFB10  }
0x16c: {  	_ =	sfence.sel $0x180000  }
0x16d: {  	[bflag:$0x0] =	sbarrier.arrive $0xFFFF  }
0x16e: {  	_ =	strace $0x9000004D  }
0x16f: {  	[bflag:$0x2] =	sbarrier.arrive $0xFFFF  }
0x170: {  	p0 =	sne.s32 s12, $0x0;
	s0 =	rddreg [dreg:$0x4]  }
0x171: {  	s0 =	sadd.s32 @!p0 $0x100000, s0  }
0x172: {  	[sflag:s0] =	ssyncadd.tile.s32 @!p0 $0x1;
	_ =	shalt  }
.LBB2_2:
.Ltmp3:
0x173: {  	(pc) =	sbr.rel .LBB2_5-.Ltmp3, $2  }
0x174: {  	_ =	sdelay $0x2  }
0x175: {  	s12 =	stileid.u32  }
.Lfunc_end2:
_tile_overlayer_lowered:
.L_overlay_start_2:
0x176: {  	(tag) =	ssettag $0x2  }
0x177: {  	s0 =	rddreg [dreg:$0x0];
	s2 =	stileid.u32  }
0x178: {  	s1 =	rddreg [dreg:$0x1];
	p0 =	sne.s32 s2, $0x0  }
0x179: {  	s3 =	rddreg [dreg:$0x2];
	[bflag:$0x3] =	sbarrier.arrive $0xFFFF;
	s2 =	simm.s32 @!p0 $0x1C03  }
0x17a: {  	[timem:s3], [sflag:s2] =	dma.local @!p0 [hbm:s0], s1  }
0x17b: {  	s0 =	simm.s32 @!p0 $0x3  }
0x17c: {  	_ =	swait.ge @!p0 [sflag:s0], s1  }
0x17d: {  	s1 =	ssub.s32 @!p0 $0x0, s1;
	[sflag:s0] =	ssyncset.done @!p0 $0x0  }
0x17e: {  	[sflag:s0] =	ssyncadd.s32 @!p0 s1  }
0x17f: {  	[bflag:$0x3] =	sbarrier.arrive $0xFFFF  }
0x180: {  	_ =	shalt  }

// kernel: kernel.9.cloned.1.call-start
scs
__scs_entry_jumppad:
0x0: {  	(pc) =	sbr.rel $0x88, $3  }
0x1: {  	(tag) =	ssettag $0x0;
	lr =	simm.s32 $0x1  }
0x2: {  	[smem:$0x3F9B] =	sst lr;
	_ =	strace $0xD0000000  }
0x3: {  	_ = 	snop  }
0x4: {  	_ = 	snop  }
0x5: {  	_ = 	snop  }
0x6: {  	_ = 	snop  }
0x7: {  	_ = 	snop  }
__scs_overlays_trampoline_lowered:
0x8: {  	[smem:$0x3FAA] =	sst s0  }
0x9: {  	[smem:$0x3FAB] =	sst s1  }
0xa: {  	[smem:$0x3FAC] =	sst s2  }
0xb: {  	[smem:$0x3FAD] =	sst s3  }
0xc: {  	[smem:$0x3FAE] =	sst s4  }
0xd: {  	[smem:$0x3FAF] =	sst s5  }
0xe: {  	[smem:$0x3FB0] =	sst s6  }
0xf: {  	[smem:$0x3FB1] =	sst s7  }
0x10: {  	[smem:$0x3FB2] =	sst s8  }
0x11: {  	[smem:$0x3FB3] =	sst s9;
	s0 =	simm.s32 @!p0 $0x0  }
0x12: {  	s1 =	sld [smem:$0x3F99];
	s0 =	simm.s32 @p0 $0x1  }
0x13: {  	[smem:$0x3FB4] =	sst s0;
	s0 =	simm.s32 @!p1 $0x0  }
0x14: {  	s2 =	sld [smem:$0x3F98];
	s0 =	simm.s32 @p1 $0x1  }
0x15: {  	[smem:$0x3FB5] =	sst s0;
	s0 =	simm.s32 @!p2 $0x0  }
0x16: {  	s3 =	sld [smem:$0x3FDB];
	s0 =	simm.s32 @p2 $0x1  }
0x17: {  	s4 =	simm.s32 $0x1BF5;
	[smem:$0x3FB7] =	sst s0  }
0x18: {  	s0 =	sld [smem:$0x3F9A];
	_ =	swait.ge [sflag:s4], $0x0  }
0x19: {  	s7 =	sld [smem:$0x3F9B]  }
0x1a: {  	s8 =	sadd.s32 $0xFFFFE003, lr  }
0x1b: {  	s9 =	sadd.s32 $0xFFFFFEF7, lr;
	s5 =	simm.s32 $0xFFFFFFFF;
	p2 =	slt.u32 s8, $0xFFFFF086  }
0x1c: {  	p1 =	slt.u32 s9, $0xF7A;
	s5 =	simm.s32 @!p2 $0x0  }
0x1d: {  	s5 =	simm.s32 @p1 $0x1;
	p0 =	seq.s32 s7, s2  }
0x1e: {  	s7 =	smul.u32 @!p0 $0xF7A, s2;
	p2 =	seq.s32 @!p0 s5, $0x0  }
0x1f: {  	s9 =	smul.u32 $0xF7A, s1;
	s8 =	simm.s32 @!p0 $0x1BF5;
	p2 =	por !p2, p0  }
0x20: {  	[sflag:s8] =	ssyncset.s32 @!p0 $0xFFFFF086;
	s6 =	sadd.s32 @!p0 s3, s7;
	s7 =	simm.s32 @!p0 $0x108  }
0x21: {  	s3 =	sadd.s32 s3, s9;
	s6 =	sadd.s32 @!p0 $0x88, s6;
	s7 =	simm.s32 @p2 $0x1082  }
0x22: {  	[simem:s7], [sflag:s8] =	dma.local @!p0 [hbm:s6], $0xF7A  }
0x23: {  	s9 =	sor.u32 $0xD0000000, s2;
	s6 =	simm.s32 $0x108;
	_ =	swait.ge @!p0 [sflag:s8], $0x0  }
0x24: {  	s3 =	sadd.s32 $0x88, s3;
	s6 =	simm.s32 @!p1 $0x1082;
	[sflag:s4] =	ssyncset.s32 $0xFFFFF086  }
0x25: {  	[simem:s6], [sflag:s4] =	dma.local [hbm:s3], $0xF7A  }
0x26: {  	[smem:$0x3F9B] =	sst s1;
	(tag) =	ssettag s2;
	_ =	strace s9  }
0x27: {  	s1 =	sld [smem:$0x3FAB]  }
0x28: {  	s2 =	sld [smem:$0x3FAC]  }
0x29: {  	s4 =	sld [smem:$0x3FAE]  }
0x2a: {  	p0 =	seq.s32 s5, $0x0;
	s5 =	sld [smem:$0x3FAF]  }
0x2b: {  	s6 =	sld [smem:$0x3FB0]  }
0x2c: {  	s7 =	sld [smem:$0x3FB1]  }
0x2d: {  	s3 =	simm.s32 $0x108;
	s8 =	sld [smem:$0x3FB2]  }
0x2e: {  	s3 =	simm.s32 @!p0 $0x1082;
	s9 =	sld [smem:$0x3FB3]  }
0x2f: {  	lr =	sadd.s32 s0, s3;
	s0 =	sld [smem:$0x3FAA]  }
0x30: {  	s3 =	sld [smem:$0x3FAD]  }
0x31: {  	[smem:$0x3FB6] =	sst s10  }
0x32: {  	s10 =	sld [smem:$0x3FB4];
	_ =	sdelay $0x3  }
0x33: {  	p0 =	seq.s32 s10, $0x1;
	s10 =	sld [smem:$0x3FB6];
	_ =	sdelay $0x3  }
0x34: {  	[smem:$0x3FB6] =	sst s10  }
0x35: {  	s10 =	sld [smem:$0x3FB5];
	_ =	sdelay $0x3  }
0x36: {  	p1 =	seq.s32 s10, $0x1;
	s10 =	sld [smem:$0x3FB6];
	_ =	sdelay $0x3  }
0x37: {  	[smem:$0x3FB6] =	sst s10  }
0x38: {  	s10 =	sld [smem:$0x3FB7]  }
0x39: {  	_ = 	snop;
	(pc) =	sbr.ind lr, $3  }
0x3a: {  	_ = 	snop  }
0x3b: {  	_ = 	snop  }
0x3c: {  	p2 =	seq.s32 s10, $0x1;
	s10 =	sld [smem:$0x3FB6]  }
0x3d: {  	_ =	shalt  }
0x3e: {  	_ =	shalt  }
0x3f: {  	_ =	shalt  }
0x40: {  	_ =	shalt  }
0x41: {  	_ =	shalt  }
0x42: {  	_ =	shalt  }
0x43: {  	_ =	shalt  }
0x44: {  	_ =	shalt  }
0x45: {  	_ =	shalt  }
0x46: {  	_ =	shalt  }
0x47: {  	_ =	shalt  }
0x48: {  	_ =	shalt  }
0x49: {  	_ =	shalt  }
0x4a: {  	_ =	shalt  }
0x4b: {  	_ =	shalt  }
0x4c: {  	_ =	shalt  }
0x4d: {  	_ =	shalt  }
0x4e: {  	_ =	shalt  }
0x4f: {  	_ =	shalt  }
0x50: {  	_ =	shalt  }
0x51: {  	_ =	shalt  }
0x52: {  	_ =	shalt  }
0x53: {  	_ =	shalt  }
0x54: {  	_ =	shalt  }
0x55: {  	_ =	shalt  }
0x56: {  	_ =	shalt  }
0x57: {  	_ =	shalt  }
0x58: {  	_ =	shalt  }
0x59: {  	_ =	shalt  }
0x5a: {  	_ =	shalt  }
0x5b: {  	_ =	shalt  }
0x5c: {  	_ =	shalt  }
0x5d: {  	_ =	shalt  }
0x5e: {  	_ =	shalt  }
0x5f: {  	_ =	shalt  }
0x60: {  	_ =	shalt  }
0x61: {  	_ =	shalt  }
0x62: {  	_ =	shalt  }
0x63: {  	_ =	shalt  }
0x64: {  	_ =	shalt  }
0x65: {  	_ =	shalt  }
0x66: {  	_ =	shalt  }
0x67: {  	_ =	shalt  }
0x68: {  	_ =	shalt  }
0x69: {  	_ =	shalt  }
0x6a: {  	_ =	shalt  }
0x6b: {  	_ =	shalt  }
0x6c: {  	_ =	shalt  }
0x6d: {  	_ =	shalt  }
0x6e: {  	_ =	shalt  }
0x6f: {  	_ =	shalt  }
0x70: {  	_ =	shalt  }
0x71: {  	_ =	shalt  }
0x72: {  	_ =	shalt  }
0x73: {  	_ =	shalt  }
0x74: {  	_ =	shalt  }
0x75: {  	_ =	shalt  }
0x76: {  	_ =	shalt  }
0x77: {  	_ =	shalt  }
0x78: {  	_ =	shalt  }
0x79: {  	_ =	shalt  }
0x7a: {  	_ =	shalt  }
0x7b: {  	_ =	shalt  }
0x7c: {  	_ =	shalt  }
0x7d: {  	_ =	shalt  }
0x7e: {  	_ =	shalt  }
0x7f: {  	_ =	shalt  }
0x80: {  	_ =	shalt  }
0x81: {  	_ =	shalt  }
0x82: {  	_ =	shalt  }
0x83: {  	_ =	shalt  }
0x84: {  	_ =	shalt  }
0x85: {  	_ =	shalt  }
0x86: {  	_ =	shalt  }
0x87: {  	_ =	shalt  }
.Lfunc_end0:
.L_simem_size_0:
called_computation_lowered:
.L_overlay_start_0:
0x88: {  	s2 =	sld [smem:$0x3FD9]  }
0x89: {  	s3 =	sld [smem:$0x3FFE];
	_ =	sdelay $0x1  }
0x8a: {  	s1 =	srdreg.scid  }
0x8b: {  	s0 =	sand.u32 $0x1, s1  }
0x8c: {  	s17 =	sshll.u32 s0, $0xA;
	s2 =	sadd.s32 s3, s2  }
0x8d: {  	s2 =	sadd.s32 s2, s17  }
0x8e: {  	[smem:$0x3FC2] =	sst s2  }
0x8f: {  	_ = 	snop  }
0x90: {  	s2 =	sld [smem:$0x3FD0];
	(tm) =	ssettm $0x1  }
0x91: {  	s18 =	sld [smem:$0x3FFB];
	_ =	sdelay $0x3  }
0x92: {  	_ =	strace s18  }
0x93: {  	s3 =	sld [smem:$0x3FFC];
	_ =	sdelay $0x3  }
0x94: {  	_ =	strace s3  }
0x95: {  	s3 =	sld [smem:$0x3FFD];
	_ =	sdelay $0x3  }
0x96: {  	_ =	strace s3  }
0x97: {  	_ =	strace $0x8FFFFFFF  }
0x98: {  	s19 =	sld [smem:$0x3FDB];
	_ =	sdelay $0x1  }
0x99: {  	s4 =	simm.s32 $_scs_section_size  }
0x9a: {  	s5 =	simm.s32 $_size__tile_overlayer_lowered;
	s6 =	simm.s32 $_tile_overlayer_lowered  }
0x9b: {  	s22 =	simm.s32 $0x1BFF;
	s21 =	sshll.u32 s6, $0x1;
	s3 =	sadd.s32 s4, s19  }
0x9c: {  	s7 =	simm.s32 $0x0;
	s20 =	sshll.u32 s5, $0x1;
	s5 =	sadd.s32 s21, s3  }
0x9d: {  	[timem:s7], [sflag:s22] =	dma.local [hbm:s5], s20  }
0x9e: {  	_ =	swait.ge [sflag:s22], s20  }
0x9f: {  	s4 =	ssub.s32 $0x0, s20;
	[sflag:s22] =	ssyncset.done $0x0  }
0xa0: {  	[sflag:s22] =	ssyncadd.s32 s4;
	_ =	sdelay $0x1  }
0xa1: {  	s23 =	simm.s32 $0x1B8B  }
0xa2: {  	_ =	swait.ge [sflag:s23], $0x1  }
0xa3: {  	[sflag:s23] =	ssyncset.done $0x0  }
0xa4: {  	s25 =	simm.s32 $0x1B8E;
	s24 =	sld [smem:$0x3FFE];
	[sflag:s23] =	ssyncadd.s32 $0xFFFFFFFF  }
0xa5: {  	s26 =	simm.s32 $execute0_lowered;
	[smem:$0x3FD2] =	sst s25  }
0xa6: {  	s5 =	sshll.u32 s26, $0x1;
	_ =	strace $0x80000046;
	[dreg:$0x1] =	wrdreg $0xFFFFFFFF  }
0xa7: {  	s28 =	simm.s32 $_size_execute0_lowered;
	s3 =	sadd.s32 s3, s5;
	[dreg:$0x0] =	wrdreg $0x0  }
0xa8: {  	s5 =	sshll.u32 s28, $0x1;
	[dreg:$0x2] =	wrdreg s3  }
0xa9: {  	[dreg:$0x3] =	wrdreg s5  }
0xaa: {  	[dreg:$0x4] =	wrdreg $0xC0  }
0xab: {  	_ =	task [dreg:s7], $0x5FFFF  }
0xac: {  	[dreg:$0x1] =	wrdreg $0xFFFFFFFF  }
0xad: {  	[dreg:$0x0] =	wrdreg $0x60  }
0xae: {  	[dreg:$0x2] =	wrdreg s24  }
0xaf: {  	[dreg:$0x3] =	wrdreg s2  }
0xb0: {  	[dreg:$0x4] =	wrdreg $0x65900  }
0xb1: {  	[dreg:$0x5] =	wrdreg $0x9  }
0xb2: {  	_ =	task.clear_ibuf [dreg:s7], $0x6FFFF;
	_ =	strace $0x90000046  }
0xb3: {  	s29 =	simm.s32 $0x9;
	_ =	strace $0x80000048  }
0xb4: {  	_ =	swait.ge [sflag:s29], $0x1  }
0xb5: {  	[sflag:s29] =	ssyncadd.s32 $0xFFFFFFFF  }
0xb6: {  	_ =	strace $0x90000048  }
0xb7: {  	_ =	sfence  }
0xb8: {  	s30 =	sld [smem:$0x0];
	_ =	sdelay $0x2  }
0xb9: {  	s31 =	sshll.u32 s1, $0xD;
	s1 =	sshrl.u32 s1, $0x2  }
0xba: {  	s3 =	sand.u32 $0x4000, s31;
	s1 =	sadd.s32 s1, s30  }
0xbb: {  	s0 =	sor.u32 s3, s0;
	s1 =	sshll.u32 s1, $0x11  }
0xbc: {  	s0 =	sor.u32 s1, s0  }
0xbd: {  	s0 =	sadd.s32 $0x8F2B, s0  }
0xbe: {  	[sflag:s0] =	ssyncadd.remote.s32 $0x1  }
0xbf: {  	_ =	sfence.sel $0xFFFF  }
0xc0: {  	[dreg:$0x0] =	wrdreg $0xFFFFFFFF;
	(pc) =	sbr.abs _section_cstart, $3  }
0xc1: {  	[dreg:$0x1] =	wrdreg $0xFFFFFFFF  }
0xc2: {  	_ =	task.clear_ibuf [dreg:s7], $0x2FFFF;
	_ =	strace $0x9FFFFFFF  }
0xc3: {  	(tm) =	ssettm $0x7FFFFFFF  }
tec
execute0_lowered:
.L_overlay_start_1:
0x0: {  	(tag) =	ssettag $0x1  }
0x1: {  	s20 =	rddreg [dreg:$0x0]  }
0x2: {  	s4 =	rddreg [dreg:$0x1]  }
0x3: {  	s2 =	rddreg [dreg:$0x2]  }
0x4: {  	s0 =	rddreg [dreg:$0x3];
	s1 =	stileid.u32  }
0x5: {  	s5 =	srdreg.scid;
	s3 =	simm.s32 $0x0;
	s22 =	smul.u32 $0x2780, s1  }
0x6: {  	s21 =	sand.u32 $0x1, s5;
	[smem:$0x7FF] =	sst s3;
	s9 =	smul.u32 $0x2710, s1  }
0x7: {  	s30 =	sshll.u32 s1, $0x6;
	s8 =	smul.u32 $0x27100, s21;
	_ =	strace $0x80000047  }
0x8: {  	s5 =	sor.u32 $0x1C01, s30;
	s29 =	sshrl.u32 s22, $0x3;
	s6 =	sadd.s32 s22, s2  }
0x9: {  	s4 =	sadd.s32 s4, s29;
	s7 =	sshrl.u32 s6, $0x3;
	s6 =	simm.s32 $0x1  }
0xa: {  	[spmem:s7], [sflag:s5] =	dma.local [hbm:s4], $0x4F0  }
0xb: {  	_ =	swait.ge [sflag:s6], $0x4F0  }
0xc: {  	s10 =	sadd.s32 s9, s8;
	[sflag:s6] =	ssyncset.done $0x0  }
0xd: {  	s8 =	sadd.s32 $0xC000, s20;
	s9 =	simm.s32 $0x2710;
	[sflag:s6] =	ssyncadd.s32 $0xFFFFFB10  }
0xe: {  	[tilespmem:s9], [sflag:$0x1] =	stream.linear.gather [hbm4b:s8+s3], $0x3E80, $0x38;
	[tilespmem:$0x8D10] =	vst v63  }
0xf: {  	s10 =	sshrl.u32 s10, $0x3;
	_ =	swait.ge [sflag:s6], $0x3E80  }
0x10: {  	s10 =	sadd.s32 s10, s20;
	[sflag:s6] =	ssyncset.done $0x0  }
0x11: {  	s10 =	sadd.s32 $0x2200, s10;
	[sflag:s6] =	ssyncadd.s32 $0xFFFFC180  }
0x12: {  	[tilespmem:s3], [sflag:$0x1] =	stream.linear.gather [hbm4b:s10+s3], $0x2710, $0x38;
	[tilespmem:$0x8D10] =	vst v63  }
0x13: {  	_ =	swait.ge [sflag:s6], $0x2710  }
0x14: {  	[sflag:s6] =	ssyncset.done $0x0  }
0x15: {  	[sflag:s6] =	ssyncadd.s32 $0xFFFFD8F0  }
0x16: {  	s11 =	simm.s32 $0x3E8;
	[bflag:$0x0] =	sbarrier.arrive $0xFFFF  }
0x17: {  	[spmem:s2] =	stream.indirect.scatter.add.f32 [tilespmem:s9], [sflag:$0x1], $0x10, s3, s11, $0xb8;
	[tilespmem:$0x8D10] =	vst v63  }
0x18: {  	_ =	swait.ge [sflag:s6], $0x3E80  }
0x19: {  	[sflag:s6] =	ssyncset.done $0x0  }
0x1a: {  	[sflag:s6] =	ssyncadd.s32 $0xFFFFC180  }
0x1b: {  	[spmem:s2] =	stream.indirect.scatter.add.f32 [tilespmem:s9], [sflag:$0x1], $0x10, s11, s11, $0xb8;
	[tilespmem:$0x8D10] =	vst v63  }
0x1c: {  	_ =	swait.ge [sflag:s6], $0x3E80  }
0x1d: {  	[sflag:s6] =	ssyncset.done $0x0  }
0x1e: {  	s12 =	simm.s32 $0x7D0;
	[sflag:s6] =	ssyncadd.s32 $0xFFFFC180  }
0x1f: {  	[spmem:s2] =	stream.indirect.scatter.add.f32 [tilespmem:s9], [sflag:$0x1], $0x10, s12, s11, $0xb8;
	[tilespmem:$0x8D10] =	vst v63  }
0x20: {  	_ =	swait.ge [sflag:s6], $0x3E80  }
0x21: {  	[sflag:s6] =	ssyncset.done $0x0  }
0x22: {  	s13 =	simm.s32 $0xBB8;
	[sflag:s6] =	ssyncadd.s32 $0xFFFFC180  }
0x23: {  	[spmem:s2] =	stream.indirect.scatter.add.f32 [tilespmem:s9], [sflag:$0x1], $0x10, s13, s11, $0xb8;
	[tilespmem:$0x8D10] =	vst v63  }
0x24: {  	_ =	swait.ge [sflag:s6], $0x3E80  }
0x25: {  	[sflag:s6] =	ssyncset.done $0x0  }
0x26: {  	s14 =	simm.s32 $0xFA0;
	[sflag:s6] =	ssyncadd.s32 $0xFFFFC180  }
0x27: {  	[spmem:s2] =	stream.indirect.scatter.add.f32 [tilespmem:s9], [sflag:$0x1], $0x10, s14, s11, $0xb8;
	[tilespmem:$0x8D10] =	vst v63  }
0x28: {  	_ =	swait.ge [sflag:s6], $0x3E80  }
0x29: {  	[sflag:s6] =	ssyncset.done $0x0  }
0x2a: {  	s15 =	simm.s32 $0x1388;
	[sflag:s6] =	ssyncadd.s32 $0xFFFFC180  }
0x2b: {  	[spmem:s2] =	stream.indirect.scatter.add.f32 [tilespmem:s9], [sflag:$0x1], $0x10, s15, s11, $0xb8;
	[tilespmem:$0x8D10] =	vst v63  }
0x2c: {  	_ =	swait.ge [sflag:s6], $0x3E80  }
0x2d: {  	[sflag:s6] =	ssyncset.done $0x0  }
0x2e: {  	s16 =	simm.s32 $0x1770;
	[sflag:s6] =	ssyncadd.s32 $0xFFFFC180  }
0x2f: {  	[spmem:s2] =	stream.indirect.scatter.add.f32 [tilespmem:s9], [sflag:$0x1], $0x10, s16, s11, $0xb8;
	[tilespmem:$0x8D10] =	vst v63  }
0x30: {  	_ =	swait.ge [sflag:s6], $0x3E80  }
0x31: {  	[sflag:s6] =	ssyncset.done $0x0  }
0x32: {  	s17 =	simm.s32 $0x1B58;
	[sflag:s6] =	ssyncadd.s32 $0xFFFFC180  }
0x33: {  	[spmem:s2] =	stream.indirect.scatter.add.f32 [tilespmem:s9], [sflag:$0x1], $0x10, s17, s11, $0xb8;
	[tilespmem:$0x8D10] =	vst v63  }
0x34: {  	_ =	swait.ge [sflag:s6], $0x3E80  }
0x35: {  	[sflag:s6] =	ssyncset.done $0x0  }
0x36: {  	s18 =	simm.s32 $0x1F40;
	[sflag:s6] =	ssyncadd.s32 $0xFFFFC180  }
0x37: {  	[spmem:s2] =	stream.indirect.scatter.add.f32 [tilespmem:s9], [sflag:$0x1], $0x10, s18, s11, $0xb8;
	[tilespmem:$0x8D10] =	vst v63  }
0x38: {  	s23 =	smul.u32 $0x27800, s21;
	s21 =	ssub.s32 $0x2, s21;
	_ =	swait.ge [sflag:s6], $0x3E80  }
0x39: {  	s31 =	sshrl.u32 s21, $0x1;
	[sflag:s6] =	ssyncset.done $0x0  }
0x3a: {  	s19 =	simm.s32 $0x2328;
	s21 =	ssub.s32 s21, s31;
	[sflag:s6] =	ssyncadd.s32 $0xFFFFC180  }
0x3b: {  	[spmem:s2] =	stream.indirect.scatter.add.f32 [tilespmem:s9], [sflag:$0x1], $0x10, s19, s11, $0xb8;
	[tilespmem:$0x8D10] =	vst v63  }
0x3c: {  	s22 =	sadd.s32 s22, s23;
	s21 =	smax.u32 s21, $0x1;
	_ =	swait.ge [sflag:s6], $0x3E80  }
0x3d: {  	s22 =	sshrl.u32 s22, $0x3;
	p0 =	sne.s32 s21, $0x1;
	[sflag:s6] =	ssyncset.done $0x0  }
.Ltmp0:
0x3e: {  	s20 =	sadd.s32 s22, s20;
	[sflag:s6] =	ssyncadd.s32 $0xFFFFC180;
	(pc) =	sbr.rel @!p0 .LBB2_2-.Ltmp0, $4  }
0x3f: {  	s20 =	sadd.s32 $0xC800, s20;
	[bflag:$0x0] =	sbarrier.arrive $0xFFFF  }
0x40: {  	[hbm:s20], [sflag:s5] =	dma.local [spmem:s7], $0x4F0  }
0x41: {  	_ =	swait.ge [sflag:s6], $0x4F0  }
0x42: {  	s21 =	sadd.s32 $0xFFFFFFFF, s21;
	[sflag:s6] =	ssyncset.done $0x0  }
.LBB2_1:
0x43: {  	p0 =	sne.s32 s21, $0x1;
	s21 =	sadd.s32 $0xFFFFFFFF, s21;
	[sflag:s6] =	ssyncadd.s32 $0xFFFFFB10  }
0x44: {  	[spmem:s7], [sflag:s5] =	dma.local [hbm:s4], $0x4F0  }
0x45: {  	_ =	swait.ge [sflag:s6], $0x4F0  }
0x46: {  	[sflag:s6] =	ssyncset.done $0x0  }
0x47: {  	[sflag:s6] =	ssyncadd.s32 $0xFFFFFB10  }
0x48: {  	[tilespmem:s9], [sflag:$0x1] =	stream.linear.gather [hbm4b:s8+s3], $0x3E80, $0x38;
	[tilespmem:$0x8D10] =	vst v63  }
0x49: {  	_ =	swait.ge [sflag:s6], $0x3E80  }
0x4a: {  	[sflag:s6] =	ssyncset.done $0x0  }
0x4b: {  	[sflag:s6] =	ssyncadd.s32 $0xFFFFC180  }
0x4c: {  	[tilespmem:s3], [sflag:$0x1] =	stream.linear.gather [hbm4b:s10+s3], $0x2710, $0x38;
	[tilespmem:$0x8D10] =	vst v63  }
0x4d: {  	_ =	swait.ge [sflag:s6], $0x2710  }
0x4e: {  	[sflag:s6] =	ssyncset.done $0x0  }
0x4f: {  	[sflag:s6] =	ssyncadd.s32 $0xFFFFD8F0  }
0x50: {  	[bflag:$0x0] =	sbarrier.arrive $0xFFFF  }
0x51: {  	[spmem:s2] =	stream.indirect.scatter.add.f32 [tilespmem:s9], [sflag:$0x1], $0x10, s3, s11, $0xb8;
	[tilespmem:$0x8D10] =	vst v63  }
0x52: {  	_ =	swait.ge [sflag:s6], $0x3E80  }
0x53: {  	[sflag:s6] =	ssyncset.done $0x0  }
0x54: {  	[sflag:s6] =	ssyncadd.s32 $0xFFFFC180  }
0x55: {  	[spmem:s2] =	stream.indirect.scatter.add.f32 [tilespmem:s9], [sflag:$0x1], $0x10, s11, s11, $0xb8;
	[tilespmem:$0x8D10] =	vst v63  }
0x56: {  	_ =	swait.ge [sflag:s6], $0x3E80  }
0x57: {  	[sflag:s6] =	ssyncset.done $0x0  }
0x58: {  	[sflag:s6] =	ssyncadd.s32 $0xFFFFC180  }
0x59: {  	[spmem:s2] =	stream.indirect.scatter.add.f32 [tilespmem:s9], [sflag:$0x1], $0x10, s12, s11, $0xb8;
	[tilespmem:$0x8D10] =	vst v63  }
0x5a: {  	_ =	swait.ge [sflag:s6], $0x3E80  }
0x5b: {  	[sflag:s6] =	ssyncset.done $0x0  }
0x5c: {  	[sflag:s6] =	ssyncadd.s32 $0xFFFFC180  }
0x5d: {  	[spmem:s2] =	stream.indirect.scatter.add.f32 [tilespmem:s9], [sflag:$0x1], $0x10, s13, s11, $0xb8;
	[tilespmem:$0x8D10] =	vst v63  }
0x5e: {  	_ =	swait.ge [sflag:s6], $0x3E80  }
0x5f: {  	[sflag:s6] =	ssyncset.done $0x0  }
0x60: {  	[sflag:s6] =	ssyncadd.s32 $0xFFFFC180  }
0x61: {  	[spmem:s2] =	stream.indirect.scatter.add.f32 [tilespmem:s9], [sflag:$0x1], $0x10, s14, s11, $0xb8;
	[tilespmem:$0x8D10] =	vst v63  }
0x62: {  	_ =	swait.ge [sflag:s6], $0x3E80  }
0x63: {  	[sflag:s6] =	ssyncset.done $0x0  }
0x64: {  	[sflag:s6] =	ssyncadd.s32 $0xFFFFC180  }
0x65: {  	[spmem:s2] =	stream.indirect.scatter.add.f32 [tilespmem:s9], [sflag:$0x1], $0x10, s15, s11, $0xb8;
	[tilespmem:$0x8D10] =	vst v63  }
0x66: {  	_ =	swait.ge [sflag:s6], $0x3E80  }
0x67: {  	[sflag:s6] =	ssyncset.done $0x0  }
0x68: {  	[sflag:s6] =	ssyncadd.s32 $0xFFFFC180  }
0x69: {  	[spmem:s2] =	stream.indirect.scatter.add.f32 [tilespmem:s9], [sflag:$0x1], $0x10, s16, s11, $0xb8;
	[tilespmem:$0x8D10] =	vst v63  }
0x6a: {  	_ =	swait.ge [sflag:s6], $0x3E80  }
0x6b: {  	[sflag:s6] =	ssyncset.done $0x0  }
0x6c: {  	[sflag:s6] =	ssyncadd.s32 $0xFFFFC180  }
0x6d: {  	[spmem:s2] =	stream.indirect.scatter.add.f32 [tilespmem:s9], [sflag:$0x1], $0x10, s17, s11, $0xb8;
	[tilespmem:$0x8D10] =	vst v63  }
0x6e: {  	_ =	swait.ge [sflag:s6], $0x3E80  }
0x6f: {  	[sflag:s6] =	ssyncset.done $0x0  }
0x70: {  	[sflag:s6] =	ssyncadd.s32 $0xFFFFC180  }
0x71: {  	[spmem:s2] =	stream.indirect.scatter.add.f32 [tilespmem:s9], [sflag:$0x1], $0x10, s18, s11, $0xb8;
	[tilespmem:$0x8D10] =	vst v63  }
0x72: {  	_ =	swait.ge [sflag:s6], $0x3E80  }
0x73: {  	[sflag:s6] =	ssyncset.done $0x0  }
0x74: {  	[sflag:s6] =	ssyncadd.s32 $0xFFFFC180  }
0x75: {  	[spmem:s2] =	stream.indirect.scatter.add.f32 [tilespmem:s9], [sflag:$0x1], $0x10, s19, s11, $0xb8;
	[tilespmem:$0x8D10] =	vst v63  }
0x76: {  	_ =	swait.ge [sflag:s6], $0x3E80  }
0x77: {  	[sflag:s6] =	ssyncset.done $0x0  }
.Ltmp1:
0x78: {  	[sflag:s6] =	ssyncadd.s32 $0xFFFFC180;
	(pc) =	sbr.rel @p0 .LBB2_1-.Ltmp1, $4  }
0x79: {  	[bflag:$0x0] =	sbarrier.arrive $0xFFFF  }
0x7a: {  	[hbm:s20], [sflag:s5] =	dma.local [spmem:s7], $0x4F0  }
0x7b: {  	_ =	swait.ge [sflag:s6], $0x4F0  }
0x7c: {  	[sflag:s6] =	ssyncset.done $0x0  }
.LBB2_2:
0x7d: {  	[sflag:s6] =	ssyncadd.s32 $0xFFFFFB10  }
0x7e: {  	_ =	sfence.sel $0x180000  }
0x7f: {  	[bflag:$0x0] =	sbarrier.arrive $0xFFFF  }
0x80: {  	p0 =	sne.s32 s1, $0x0;
	_ =	strace $0x90000047  }
0x81: {  	s0 =	sadd.s32 @!p0 $0x100000, s0;
	[bflag:$0x2] =	sbarrier.arrive $0xFFFF  }
0x82: {  	[sflag:s0] =	ssyncadd.tile.s32 @!p0 $0x1;
	_ =	shalt  }
.Lfunc_end2:
_tile_overlayer_lowered:
.L_overlay_start_2:
0x83: {  	(tag) =	ssettag $0x2  }
0x84: {  	s0 =	rddreg [dreg:$0x0];
	s2 =	stileid.u32  }
0x85: {  	s1 =	rddreg [dreg:$0x1];
	p0 =	sne.s32 s2, $0x0  }
0x86: {  	s3 =	rddreg [dreg:$0x2];
	[bflag:$0x3] =	sbarrier.arrive $0xFFFF;
	s2 =	simm.s32 @!p0 $0x1C01  }
0x87: {  	[timem:s3], [sflag:s2] =	dma.local @!p0 [hbm:s0], s1  }
0x88: {  	s0 =	simm.s32 @!p0 $0x1  }
0x89: {  	_ =	swait.ge @!p0 [sflag:s0], s1  }
0x8a: {  	s1 =	ssub.s32 @!p0 $0x0, s1;
	[sflag:s0] =	ssyncset.done @!p0 $0x0  }
0x8b: {  	[sflag:s0] =	ssyncadd.s32 @!p0 s1  }
0x8c: {  	[bflag:$0x3] =	sbarrier.arrive $0xFFFF  }
0x8d: {  	_ =	shalt  }

</sc_bundles>
